<compile_context>
chip_gen: v7x
topology: tpu7x:2x2x1
jax: 0.10.2.dev20260603
libtpu: 0.0.44.dev20260713+nightly
codegen_flags: <defaults>
</compile_context>

<pallas_src>
import functools

import jax
import jax.numpy as jnp
from jax import lax
from jax.experimental import pallas as pl
from jax.experimental.pallas import tpu as pltpu
from jax.experimental.pallas import tpu_sc as plsc

_ROWS = 8192
_DIM = 1024
_NUM_WORKERS = 32
_CHUNK = 16
_NUM_CHUNKS = _ROWS // (_NUM_WORKERS * _CHUNK)
_NBUF = 6
_DELAY = 3

_MESH = plsc.VectorSubcoreMesh(core_axis_name="c", subcore_axis_name="s")


@functools.partial(
    pl.kernel,
    mesh=_MESH,
    out_type=jax.ShapeDtypeStruct((_ROWS, _DIM), jnp.float32),
    scratch_types=(
        [pltpu.VMEM((_CHUNK, _DIM), jnp.float32) for _ in range(_NBUF)]
        + [pltpu.SemaphoreType.DMA for _ in range(2 * _NBUF)]
    ),
)
def _gather_rows_sc(table_hbm, out_hbm, *scratch):
    bufs = scratch[:_NBUF]
    lsems = scratch[_NBUF : 2 * _NBUF]
    ssems = scratch[2 * _NBUF :]

    wid = lax.axis_index("s") * 2 + lax.axis_index("c")

    loads = [None] * _NBUF
    stores = [None] * _NBUF

    def _row0(j):
        return (j * _NUM_WORKERS + wid) * _CHUNK

    def _load(j):
        b = j % _NBUF
        loads[b] = pltpu.async_copy(
            table_hbm.at[pl.ds(_row0(j), _CHUNK)], bufs[b], lsems[b]
        )

    for j in range(min(_DELAY + 1, _NUM_CHUNKS)):
        _load(j)
    for i in range(_NUM_CHUNKS):
        b = i % _NBUF
        loads[b].wait()
        stores[b] = pltpu.async_copy(
            bufs[b], out_hbm.at[pl.ds(_row0(i), _CHUNK)], ssems[b]
        )
        j = i + _DELAY
        if _DELAY < j < _NUM_CHUNKS:
            bb = j % _NBUF
            if stores[bb] is not None:
                stores[bb].wait()
                stores[bb] = None
            _load(j)
    for st in stores:
        if st is not None:
            st.wait()


def kernel(input_ids, weights):
    del input_ids
    return _gather_rows_sc(weights)

# --- scband reference (transcript-rebuilt; emitter-appended) ---
"""Pipeline reference for scband-parler-ttssinusoidal-positional-embedding-16827681866091 (READ-ONLY COPY).

The authoritative reference and input builder live on the scoring server;
editing this copy changes nothing except your own understanding.
"""

import math
import jax, jax.numpy as jnp
import numpy as np

NUM_POSITIONS = 8192
EMBEDDING_DIM = 1024
BATCH = 4
SEQ_LEN = 8192


def _get_embedding(num_embeddings, embedding_dim):
    half_dim = embedding_dim // 2
    inv_freq = math.log(10000) / (half_dim - 1)
    inv_freq = jnp.exp(jnp.arange(half_dim, dtype=jnp.float32) * -inv_freq)
    pos = jnp.arange(num_embeddings, dtype=jnp.float32)[:, None]
    emb = pos * inv_freq[None, :]
    emb = jnp.concatenate([jnp.cos(emb), jnp.sin(emb)], axis=1).reshape(num_embeddings, -1)
    if embedding_dim % 2 == 1:
        emb = jnp.concatenate([emb, jnp.zeros((num_embeddings, 1), dtype=emb.dtype)], axis=1)
    return emb.astype(jnp.float32)


def setup_inputs(seed: int = 0) -> dict:
    key = jax.random.key(seed)
    k1, _ = jax.random.split(key)
    input_ids = jax.random.randint(k1, (BATCH, SEQ_LEN, 1), 0, 1024, dtype=jnp.int64 if jax.config.jax_enable_x64 else jnp.int32)
    weights = _get_embedding(NUM_POSITIONS, EMBEDDING_DIM)
    return {"input_ids": input_ids, "weights": weights}


def reference(input_ids, weights):
    # past_key_values_length = 0
    bsz, seq_len, _ = input_ids.shape
    position_ids = jnp.arange(seq_len, dtype=jnp.int32)  # + past_key_values_length (=0)
    # index_select on rows of the sinusoidal table -> gather
    return jnp.take(weights, position_ids, axis=0)

if __name__ == "__main__":
    import jax
    _d = setup_inputs()
    print(jax.jit(kernel)(*tuple(_d.values())))

</pallas_src>

<mosaic_0001>
#map = affine_map<(d0, d1) -> (0, 0)>
module attributes {stable_mosaic.version = 14 : i64} {
  func.func @_gather_rows_sc(%arg0: i32, %arg1: i32, %arg2: memref<8192x1024xf32, #tpu.memory_space<hbm>>, %arg3: memref<8192x1024xf32, #tpu.memory_space<hbm>>, %arg4: memref<16x1024xf32, #tpu.memory_space<vmem>>, %arg5: memref<16x1024xf32, #tpu.memory_space<vmem>>, %arg6: memref<16x1024xf32, #tpu.memory_space<vmem>>, %arg7: memref<16x1024xf32, #tpu.memory_space<vmem>>, %arg8: memref<16x1024xf32, #tpu.memory_space<vmem>>, %arg9: memref<16x1024xf32, #tpu.memory_space<vmem>>, %arg10: memref<!tpu.dma_semaphore, #tpu.memory_space<semaphore_mem>>, %arg11: memref<!tpu.dma_semaphore, #tpu.memory_space<semaphore_mem>>, %arg12: memref<!tpu.dma_semaphore, #tpu.memory_space<semaphore_mem>>, %arg13: memref<!tpu.dma_semaphore, #tpu.memory_space<semaphore_mem>>, %arg14: memref<!tpu.dma_semaphore, #tpu.memory_space<semaphore_mem>>, %arg15: memref<!tpu.dma_semaphore, #tpu.memory_space<semaphore_mem>>, %arg16: memref<!tpu.dma_semaphore, #tpu.memory_space<semaphore_mem>>, %arg17: memref<!tpu.dma_semaphore, #tpu.memory_space<semaphore_mem>>, %arg18: memref<!tpu.dma_semaphore, #tpu.memory_space<semaphore_mem>>, %arg19: memref<!tpu.dma_semaphore, #tpu.memory_space<semaphore_mem>>, %arg20: memref<!tpu.dma_semaphore, #tpu.memory_space<semaphore_mem>>, %arg21: memref<!tpu.dma_semaphore, #tpu.memory_space<semaphore_mem>>) attributes {dimension_semantics = [#tpu.dimension_semantics<core_parallel>, #tpu.dimension_semantics<subcore_parallel>], iteration_bounds = array<i64: 2, 16>, scalar_prefetch = 0 : i64, scratch_operands = 18 : i64, tpu.core_type = #tpu.core_type<sc_vector_subcore>, window_params = [{transform_indices = #map}, {transform_indices = #map}]} {
    %mul3A = arith.constant 2 : i32
    %mul3A_0 = arith.muli %arg1, %mul3A : i32
    %add3A = arith.addi %mul3A_0, %arg0 : i32
    %add3A_1 = arith.constant 0 : i32
    %add3A_2 = arith.addi %add3A_1, %add3A : i32
    %mul3A_3 = arith.constant 16 : i32
    %mul3A_4 = arith.muli %add3A_2, %mul3A_3 : i32
    %dma_start3A = arith.constant 0 : i32
    %dma_start3A_5 = tpu.memref_slice %arg2[%mul3A_4, %dma_start3A] : memref<8192x1024xf32, #tpu.memory_space<hbm>> -> memref<16x1024xf32, #tpu.memory_space<hbm>>
    %dma_start3A_6 = arith.constant 0 : i32
    %dma_start3A_7 = tpu.memref_slice %arg2[%mul3A_4, %dma_start3A_6] : memref<8192x1024xf32, #tpu.memory_space<hbm>> -> memref<16x1024xf32, #tpu.memory_space<hbm>>
    tpu.enqueue_dma source(%dma_start3A_7 : memref<16x1024xf32, #tpu.memory_space<hbm>>) target(%arg4 : memref<16x1024xf32, #tpu.memory_space<vmem>>) target_semaphore(%arg10 : memref<!tpu.dma_semaphore, #tpu.memory_space<semaphore_mem>>)
    %add3A_8 = arith.constant 32 : i32
    %add3A_9 = arith.addi %add3A_8, %add3A : i32
    %mul3A_10 = arith.constant 16 : i32
    %mul3A_11 = arith.muli %add3A_9, %mul3A_10 : i32
    %dma_start3A_12 = arith.constant 0 : i32
    %dma_start3A_13 = tpu.memref_slice %arg2[%mul3A_11, %dma_start3A_12] : memref<8192x1024xf32, #tpu.memory_space<hbm>> -> memref<16x1024xf32, #tpu.memory_space<hbm>>
    %dma_start3A_14 = arith.constant 0 : i32
    %dma_start3A_15 = tpu.memref_slice %arg2[%mul3A_11, %dma_start3A_14] : memref<8192x1024xf32, #tpu.memory_space<hbm>> -> memref<16x1024xf32, #tpu.memory_space<hbm>>
    tpu.enqueue_dma source(%dma_start3A_15 : memref<16x1024xf32, #tpu.memory_space<hbm>>) target(%arg5 : memref<16x1024xf32, #tpu.memory_space<vmem>>) target_semaphore(%arg11 : memref<!tpu.dma_semaphore, #tpu.memory_space<semaphore_mem>>)
    %add3A_16 = arith.constant 64 : i32
    %add3A_17 = arith.addi %add3A_16, %add3A : i32
    %mul3A_18 = arith.constant 16 : i32
    %mul3A_19 = arith.muli %add3A_17, %mul3A_18 : i32
    %dma_start3A_20 = arith.constant 0 : i32
    %dma_start3A_21 = tpu.memref_slice %arg2[%mul3A_19, %dma_start3A_20] : memref<8192x1024xf32, #tpu.memory_space<hbm>> -> memref<16x1024xf32, #tpu.memory_space<hbm>>
    %dma_start3A_22 = arith.constant 0 : i32
    %dma_start3A_23 = tpu.memref_slice %arg2[%mul3A_19, %dma_start3A_22] : memref<8192x1024xf32, #tpu.memory_space<hbm>> -> memref<16x1024xf32, #tpu.memory_space<hbm>>
    tpu.enqueue_dma source(%dma_start3A_23 : memref<16x1024xf32, #tpu.memory_space<hbm>>) target(%arg6 : memref<16x1024xf32, #tpu.memory_space<vmem>>) target_semaphore(%arg12 : memref<!tpu.dma_semaphore, #tpu.memory_space<semaphore_mem>>)
    %add3A_24 = arith.constant 96 : i32
    %add3A_25 = arith.addi %add3A_24, %add3A : i32
    %mul3A_26 = arith.constant 16 : i32
    %mul3A_27 = arith.muli %add3A_25, %mul3A_26 : i32
    %dma_start3A_28 = arith.constant 0 : i32
    %dma_start3A_29 = tpu.memref_slice %arg2[%mul3A_27, %dma_start3A_28] : memref<8192x1024xf32, #tpu.memory_space<hbm>> -> memref<16x1024xf32, #tpu.memory_space<hbm>>
    %dma_start3A_30 = arith.constant 0 : i32
    %dma_start3A_31 = tpu.memref_slice %arg2[%mul3A_27, %dma_start3A_30] : memref<8192x1024xf32, #tpu.memory_space<hbm>> -> memref<16x1024xf32, #tpu.memory_space<hbm>>
    tpu.enqueue_dma source(%dma_start3A_31 : memref<16x1024xf32, #tpu.memory_space<hbm>>) target(%arg7 : memref<16x1024xf32, #tpu.memory_space<vmem>>) target_semaphore(%arg13 : memref<!tpu.dma_semaphore, #tpu.memory_space<semaphore_mem>>)
    %dma_wait3A = arith.constant 0 : i32
    %dma_wait3A_32 = tpu.memref_slice %arg2[%mul3A_4, %dma_wait3A] : memref<8192x1024xf32, #tpu.memory_space<hbm>> -> memref<16x1024xf32, #tpu.memory_space<hbm>>
    %dma_wait3A_33 = arith.constant 0 : i32
    %dma_wait3A_34 = tpu.memref_slice %arg2[%mul3A_4, %dma_wait3A_33] : memref<8192x1024xf32, #tpu.memory_space<hbm>> -> memref<16x1024xf32, #tpu.memory_space<hbm>>
    tpu.wait_dma2 semaphore(%arg10 : memref<!tpu.dma_semaphore, #tpu.memory_space<semaphore_mem>>) src(%dma_wait3A_34 : memref<16x1024xf32, #tpu.memory_space<hbm>>) dst(%arg4 : memref<16x1024xf32, #tpu.memory_space<vmem>>)
    %add3A_35 = arith.constant 0 : i32
    %add3A_36 = arith.addi %add3A_35, %add3A : i32
    %mul3A_37 = arith.constant 16 : i32
    %mul3A_38 = arith.muli %add3A_36, %mul3A_37 : i32
    %dma_start3A_39 = arith.constant 0 : i32
    %dma_start3A_40 = tpu.memref_slice %arg3[%mul3A_38, %dma_start3A_39] : memref<8192x1024xf32, #tpu.memory_space<hbm>> -> memref<16x1024xf32, #tpu.memory_space<hbm>>
    %dma_start3A_41 = arith.constant 0 : i32
    %dma_start3A_42 = tpu.memref_slice %arg3[%mul3A_38, %dma_start3A_41] : memref<8192x1024xf32, #tpu.memory_space<hbm>> -> memref<16x1024xf32, #tpu.memory_space<hbm>>
    tpu.enqueue_dma source(%arg4 : memref<16x1024xf32, #tpu.memory_space<vmem>>) target(%dma_start3A_42 : memref<16x1024xf32, #tpu.memory_space<hbm>>) target_semaphore(%arg16 : memref<!tpu.dma_semaphore, #tpu.memory_space<semaphore_mem>>)
    %dma_wait3A_43 = arith.constant 0 : i32
    %dma_wait3A_44 = tpu.memref_slice %arg2[%mul3A_11, %dma_wait3A_43] : memref<8192x1024xf32, #tpu.memory_space<hbm>> -> memref<16x1024xf32, #tpu.memory_space<hbm>>
    %dma_wait3A_45 = arith.constant 0 : i32
    %dma_wait3A_46 = tpu.memref_slice %arg2[%mul3A_11, %dma_wait3A_45] : memref<8192x1024xf32, #tpu.memory_space<hbm>> -> memref<16x1024xf32, #tpu.memory_space<hbm>>
    tpu.wait_dma2 semaphore(%arg11 : memref<!tpu.dma_semaphore, #tpu.memory_space<semaphore_mem>>) src(%dma_wait3A_46 : memref<16x1024xf32, #tpu.memory_space<hbm>>) dst(%arg5 : memref<16x1024xf32, #tpu.memory_space<vmem>>)
    %add3A_47 = arith.constant 32 : i32
    %add3A_48 = arith.addi %add3A_47, %add3A : i32
    %mul3A_49 = arith.constant 16 : i32
    %mul3A_50 = arith.muli %add3A_48, %mul3A_49 : i32
    %dma_start3A_51 = arith.constant 0 : i32
    %dma_start3A_52 = tpu.memref_slice %arg3[%mul3A_50, %dma_start3A_51] : memref<8192x1024xf32, #tpu.memory_space<hbm>> -> memref<16x1024xf32, #tpu.memory_space<hbm>>
    %dma_start3A_53 = arith.constant 0 : i32
    %dma_start3A_54 = tpu.memref_slice %arg3[%mul3A_50, %dma_start3A_53] : memref<8192x1024xf32, #tpu.memory_space<hbm>> -> memref<16x1024xf32, #tpu.memory_space<hbm>>
    tpu.enqueue_dma source(%arg5 : memref<16x1024xf32, #tpu.memory_space<vmem>>) target(%dma_start3A_54 : memref<16x1024xf32, #tpu.memory_space<hbm>>) target_semaphore(%arg17 : memref<!tpu.dma_semaphore, #tpu.memory_space<semaphore_mem>>)
    %add3A_55 = arith.constant 128 : i32
    %add3A_56 = arith.addi %add3A_55, %add3A : i32
    %mul3A_57 = arith.constant 16 : i32
    %mul3A_58 = arith.muli %add3A_56, %mul3A_57 : i32
    %dma_start3A_59 = arith.constant 0 : i32
    %dma_start3A_60 = tpu.memref_slice %arg2[%mul3A_58, %dma_start3A_59] : memref<8192x1024xf32, #tpu.memory_space<hbm>> -> memref<16x1024xf32, #tpu.memory_space<hbm>>
    %dma_start3A_61 = arith.constant 0 : i32
    %dma_start3A_62 = tpu.memref_slice %arg2[%mul3A_58, %dma_start3A_61] : memref<8192x1024xf32, #tpu.memory_space<hbm>> -> memref<16x1024xf32, #tpu.memory_space<hbm>>
    tpu.enqueue_dma source(%dma_start3A_62 : memref<16x1024xf32, #tpu.memory_space<hbm>>) target(%arg8 : memref<16x1024xf32, #tpu.memory_space<vmem>>) target_semaphore(%arg14 : memref<!tpu.dma_semaphore, #tpu.memory_space<semaphore_mem>>)
    %dma_wait3A_63 = arith.constant 0 : i32
    %dma_wait3A_64 = tpu.memref_slice %arg2[%mul3A_19, %dma_wait3A_63] : memref<8192x1024xf32, #tpu.memory_space<hbm>> -> memref<16x1024xf32, #tpu.memory_space<hbm>>
    %dma_wait3A_65 = arith.constant 0 : i32
    %dma_wait3A_66 = tpu.memref_slice %arg2[%mul3A_19, %dma_wait3A_65] : memref<8192x1024xf32, #tpu.memory_space<hbm>> -> memref<16x1024xf32, #tpu.memory_space<hbm>>
    tpu.wait_dma2 semaphore(%arg12 : memref<!tpu.dma_semaphore, #tpu.memory_space<semaphore_mem>>) src(%dma_wait3A_66 : memref<16x1024xf32, #tpu.memory_space<hbm>>) dst(%arg6 : memref<16x1024xf32, #tpu.memory_space<vmem>>)
    %add3A_67 = arith.constant 64 : i32
    %add3A_68 = arith.addi %add3A_67, %add3A : i32
    %mul3A_69 = arith.constant 16 : i32
    %mul3A_70 = arith.muli %add3A_68, %mul3A_69 : i32
    %dma_start3A_71 = arith.constant 0 : i32
    %dma_start3A_72 = tpu.memref_slice %arg3[%mul3A_70, %dma_start3A_71] : memref<8192x1024xf32, #tpu.memory_space<hbm>> -> memref<16x1024xf32, #tpu.memory_space<hbm>>
    %dma_start3A_73 = arith.constant 0 : i32
    %dma_start3A_74 = tpu.memref_slice %arg3[%mul3A_70, %dma_start3A_73] : memref<8192x1024xf32, #tpu.memory_space<hbm>> -> memref<16x1024xf32, #tpu.memory_space<hbm>>
    tpu.enqueue_dma source(%arg6 : memref<16x1024xf32, #tpu.memory_space<vmem>>) target(%dma_start3A_74 : memref<16x1024xf32, #tpu.memory_space<hbm>>) target_semaphore(%arg18 : memref<!tpu.dma_semaphore, #tpu.memory_space<semaphore_mem>>)
    %add3A_75 = arith.constant 160 : i32
    %add3A_76 = arith.addi %add3A_75, %add3A : i32
    %mul3A_77 = arith.constant 16 : i32
    %mul3A_78 = arith.muli %add3A_76, %mul3A_77 : i32
    %dma_start3A_79 = arith.constant 0 : i32
    %dma_start3A_80 = tpu.memref_slice %arg2[%mul3A_78, %dma_start3A_79] : memref<8192x1024xf32, #tpu.memory_space<hbm>> -> memref<16x1024xf32, #tpu.memory_space<hbm>>
    %dma_start3A_81 = arith.constant 0 : i32
    %dma_start3A_82 = tpu.memref_slice %arg2[%mul3A_78, %dma_start3A_81] : memref<8192x1024xf32, #tpu.memory_space<hbm>> -> memref<16x1024xf32, #tpu.memory_space<hbm>>
    tpu.enqueue_dma source(%dma_start3A_82 : memref<16x1024xf32, #tpu.memory_space<hbm>>) target(%arg9 : memref<16x1024xf32, #tpu.memory_space<vmem>>) target_semaphore(%arg15 : memref<!tpu.dma_semaphore, #tpu.memory_space<semaphore_mem>>)
    %dma_wait3A_83 = arith.constant 0 : i32
    %dma_wait3A_84 = tpu.memref_slice %arg2[%mul3A_27, %dma_wait3A_83] : memref<8192x1024xf32, #tpu.memory_space<hbm>> -> memref<16x1024xf32, #tpu.memory_space<hbm>>
    %dma_wait3A_85 = arith.constant 0 : i32
    %dma_wait3A_86 = tpu.memref_slice %arg2[%mul3A_27, %dma_wait3A_85] : memref<8192x1024xf32, #tpu.memory_space<hbm>> -> memref<16x1024xf32, #tpu.memory_space<hbm>>
    tpu.wait_dma2 semaphore(%arg13 : memref<!tpu.dma_semaphore, #tpu.memory_space<semaphore_mem>>) src(%dma_wait3A_86 : memref<16x1024xf32, #tpu.memory_space<hbm>>) dst(%arg7 : memref<16x1024xf32, #tpu.memory_space<vmem>>)
    %add3A_87 = arith.constant 96 : i32
    %add3A_88 = arith.addi %add3A_87, %add3A : i32
    %mul3A_89 = arith.constant 16 : i32
    %mul3A_90 = arith.muli %add3A_88, %mul3A_89 : i32
    %dma_start3A_91 = arith.constant 0 : i32
    %dma_start3A_92 = tpu.memref_slice %arg3[%mul3A_90, %dma_start3A_91] : memref<8192x1024xf32, #tpu.memory_space<hbm>> -> memref<16x1024xf32, #tpu.memory_space<hbm>>
    %dma_start3A_93 = arith.constant 0 : i32
    %dma_start3A_94 = tpu.memref_slice %arg3[%mul3A_90, %dma_start3A_93] : memref<8192x1024xf32, #tpu.memory_space<hbm>> -> memref<16x1024xf32, #tpu.memory_space<hbm>>
    tpu.enqueue_dma source(%arg7 : memref<16x1024xf32, #tpu.memory_space<vmem>>) target(%dma_start3A_94 : memref<16x1024xf32, #tpu.memory_space<hbm>>) target_semaphore(%arg19 : memref<!tpu.dma_semaphore, #tpu.memory_space<semaphore_mem>>)
    %dma_wait3A_95 = arith.constant 0 : i32
    %dma_wait3A_96 = tpu.memref_slice %arg3[%mul3A_38, %dma_wait3A_95] : memref<8192x1024xf32, #tpu.memory_space<hbm>> -> memref<16x1024xf32, #tpu.memory_space<hbm>>
    %dma_wait3A_97 = arith.constant 0 : i32
    %dma_wait3A_98 = tpu.memref_slice %arg3[%mul3A_38, %dma_wait3A_97] : memref<8192x1024xf32, #tpu.memory_space<hbm>> -> memref<16x1024xf32, #tpu.memory_space<hbm>>
    tpu.wait_dma2 semaphore(%arg16 : memref<!tpu.dma_semaphore, #tpu.memory_space<semaphore_mem>>) src(%arg4 : memref<16x1024xf32, #tpu.memory_space<vmem>>) dst(%dma_wait3A_98 : memref<16x1024xf32, #tpu.memory_space<hbm>>)
    %add3A_99 = arith.constant 192 : i32
    %add3A_100 = arith.addi %add3A_99, %add3A : i32
    %mul3A_101 = arith.constant 16 : i32
    %mul3A_102 = arith.muli %add3A_100, %mul3A_101 : i32
    %dma_start3A_103 = arith.constant 0 : i32
    %dma_start3A_104 = tpu.memref_slice %arg2[%mul3A_102, %dma_start3A_103] : memref<8192x1024xf32, #tpu.memory_space<hbm>> -> memref<16x1024xf32, #tpu.memory_space<hbm>>
    %dma_start3A_105 = arith.constant 0 : i32
    %dma_start3A_106 = tpu.memref_slice %arg2[%mul3A_102, %dma_start3A_105] : memref<8192x1024xf32, #tpu.memory_space<hbm>> -> memref<16x1024xf32, #tpu.memory_space<hbm>>
    tpu.enqueue_dma source(%dma_start3A_106 : memref<16x1024xf32, #tpu.memory_space<hbm>>) target(%arg4 : memref<16x1024xf32, #tpu.memory_space<vmem>>) target_semaphore(%arg10 : memref<!tpu.dma_semaphore, #tpu.memory_space<semaphore_mem>>)
    %dma_wait3A_107 = arith.constant 0 : i32
    %dma_wait3A_108 = tpu.memref_slice %arg2[%mul3A_58, %dma_wait3A_107] : memref<8192x1024xf32, #tpu.memory_space<hbm>> -> memref<16x1024xf32, #tpu.memory_space<hbm>>
    %dma_wait3A_109 = arith.constant 0 : i32
    %dma_wait3A_110 = tpu.memref_slice %arg2[%mul3A_58, %dma_wait3A_109] : memref<8192x1024xf32, #tpu.memory_space<hbm>> -> memref<16x1024xf32, #tpu.memory_space<hbm>>
    tpu.wait_dma2 semaphore(%arg14 : memref<!tpu.dma_semaphore, #tpu.memory_space<semaphore_mem>>) src(%dma_wait3A_110 : memref<16x1024xf32, #tpu.memory_space<hbm>>) dst(%arg8 : memref<16x1024xf32, #tpu.memory_space<vmem>>)
    %add3A_111 = arith.constant 128 : i32
    %add3A_112 = arith.addi %add3A_111, %add3A : i32
    %mul3A_113 = arith.constant 16 : i32
    %mul3A_114 = arith.muli %add3A_112, %mul3A_113 : i32
    %dma_start3A_115 = arith.constant 0 : i32
    %dma_start3A_116 = tpu.memref_slice %arg3[%mul3A_114, %dma_start3A_115] : memref<8192x1024xf32, #tpu.memory_space<hbm>> -> memref<16x1024xf32, #tpu.memory_space<hbm>>
    %dma_start3A_117 = arith.constant 0 : i32
    %dma_start3A_118 = tpu.memref_slice %arg3[%mul3A_114, %dma_start3A_117] : memref<8192x1024xf32, #tpu.memory_space<hbm>> -> memref<16x1024xf32, #tpu.memory_space<hbm>>
    tpu.enqueue_dma source(%arg8 : memref<16x1024xf32, #tpu.memory_space<vmem>>) target(%dma_start3A_118 : memref<16x1024xf32, #tpu.memory_space<hbm>>) target_semaphore(%arg20 : memref<!tpu.dma_semaphore, #tpu.memory_space<semaphore_mem>>)
    %dma_wait3A_119 = arith.constant 0 : i32
    %dma_wait3A_120 = tpu.memref_slice %arg3[%mul3A_50, %dma_wait3A_119] : memref<8192x1024xf32, #tpu.memory_space<hbm>> -> memref<16x1024xf32, #tpu.memory_space<hbm>>
    %dma_wait3A_121 = arith.constant 0 : i32
    %dma_wait3A_122 = tpu.memref_slice %arg3[%mul3A_50, %dma_wait3A_121] : memref<8192x1024xf32, #tpu.memory_space<hbm>> -> memref<16x1024xf32, #tpu.memory_space<hbm>>
    tpu.wait_dma2 semaphore(%arg17 : memref<!tpu.dma_semaphore, #tpu.memory_space<semaphore_mem>>) src(%arg5 : memref<16x1024xf32, #tpu.memory_space<vmem>>) dst(%dma_wait3A_122 : memref<16x1024xf32, #tpu.memory_space<hbm>>)
    %add3A_123 = arith.constant 224 : i32
    %add3A_124 = arith.addi %add3A_123, %add3A : i32
    %mul3A_125 = arith.constant 16 : i32
    %mul3A_126 = arith.muli %add3A_124, %mul3A_125 : i32
    %dma_start3A_127 = arith.constant 0 : i32
    %dma_start3A_128 = tpu.memref_slice %arg2[%mul3A_126, %dma_start3A_127] : memref<8192x1024xf32, #tpu.memory_space<hbm>> -> memref<16x1024xf32, #tpu.memory_space<hbm>>
    %dma_start3A_129 = arith.constant 0 : i32
    %dma_start3A_130 = tpu.memref_slice %arg2[%mul3A_126, %dma_start3A_129] : memref<8192x1024xf32, #tpu.memory_space<hbm>> -> memref<16x1024xf32, #tpu.memory_space<hbm>>
    tpu.enqueue_dma source(%dma_start3A_130 : memref<16x1024xf32, #tpu.memory_space<hbm>>) target(%arg5 : memref<16x1024xf32, #tpu.memory_space<vmem>>) target_semaphore(%arg11 : memref<!tpu.dma_semaphore, #tpu.memory_space<semaphore_mem>>)
    %dma_wait3A_131 = arith.constant 0 : i32
    %dma_wait3A_132 = tpu.memref_slice %arg2[%mul3A_78, %dma_wait3A_131] : memref<8192x1024xf32, #tpu.memory_space<hbm>> -> memref<16x1024xf32, #tpu.memory_space<hbm>>
    %dma_wait3A_133 = arith.constant 0 : i32
    %dma_wait3A_134 = tpu.memref_slice %arg2[%mul3A_78, %dma_wait3A_133] : memref<8192x1024xf32, #tpu.memory_space<hbm>> -> memref<16x1024xf32, #tpu.memory_space<hbm>>
    tpu.wait_dma2 semaphore(%arg15 : memref<!tpu.dma_semaphore, #tpu.memory_space<semaphore_mem>>) src(%dma_wait3A_134 : memref<16x1024xf32, #tpu.memory_space<hbm>>) dst(%arg9 : memref<16x1024xf32, #tpu.memory_space<vmem>>)
    %add3A_135 = arith.constant 160 : i32
    %add3A_136 = arith.addi %add3A_135, %add3A : i32
    %mul3A_137 = arith.constant 16 : i32
    %mul3A_138 = arith.muli %add3A_136, %mul3A_137 : i32
    %dma_start3A_139 = arith.constant 0 : i32
    %dma_start3A_140 = tpu.memref_slice %arg3[%mul3A_138, %dma_start3A_139] : memref<8192x1024xf32, #tpu.memory_space<hbm>> -> memref<16x1024xf32, #tpu.memory_space<hbm>>
    %dma_start3A_141 = arith.constant 0 : i32
    %dma_start3A_142 = tpu.memref_slice %arg3[%mul3A_138, %dma_start3A_141] : memref<8192x1024xf32, #tpu.memory_space<hbm>> -> memref<16x1024xf32, #tpu.memory_space<hbm>>
    tpu.enqueue_dma source(%arg9 : memref<16x1024xf32, #tpu.memory_space<vmem>>) target(%dma_start3A_142 : memref<16x1024xf32, #tpu.memory_space<hbm>>) target_semaphore(%arg21 : memref<!tpu.dma_semaphore, #tpu.memory_space<semaphore_mem>>)
    %dma_wait3A_143 = arith.constant 0 : i32
    %dma_wait3A_144 = tpu.memref_slice %arg3[%mul3A_70, %dma_wait3A_143] : memref<8192x1024xf32, #tpu.memory_space<hbm>> -> memref<16x1024xf32, #tpu.memory_space<hbm>>
    %dma_wait3A_145 = arith.constant 0 : i32
    %dma_wait3A_146 = tpu.memref_slice %arg3[%mul3A_70, %dma_wait3A_145] : memref<8192x1024xf32, #tpu.memory_space<hbm>> -> memref<16x1024xf32, #tpu.memory_space<hbm>>
    tpu.wait_dma2 semaphore(%arg18 : memref<!tpu.dma_semaphore, #tpu.memory_space<semaphore_mem>>) src(%arg6 : memref<16x1024xf32, #tpu.memory_space<vmem>>) dst(%dma_wait3A_146 : memref<16x1024xf32, #tpu.memory_space<hbm>>)
    %add3A_147 = arith.constant 256 : i32
    %add3A_148 = arith.addi %add3A_147, %add3A : i32
    %mul3A_149 = arith.constant 16 : i32
    %mul3A_150 = arith.muli %add3A_148, %mul3A_149 : i32
    %dma_start3A_151 = arith.constant 0 : i32
    %dma_start3A_152 = tpu.memref_slice %arg2[%mul3A_150, %dma_start3A_151] : memref<8192x1024xf32, #tpu.memory_space<hbm>> -> memref<16x1024xf32, #tpu.memory_space<hbm>>
    %dma_start3A_153 = arith.constant 0 : i32
    %dma_start3A_154 = tpu.memref_slice %arg2[%mul3A_150, %dma_start3A_153] : memref<8192x1024xf32, #tpu.memory_space<hbm>> -> memref<16x1024xf32, #tpu.memory_space<hbm>>
    tpu.enqueue_dma source(%dma_start3A_154 : memref<16x1024xf32, #tpu.memory_space<hbm>>) target(%arg6 : memref<16x1024xf32, #tpu.memory_space<vmem>>) target_semaphore(%arg12 : memref<!tpu.dma_semaphore, #tpu.memory_space<semaphore_mem>>)
    %dma_wait3A_155 = arith.constant 0 : i32
    %dma_wait3A_156 = tpu.memref_slice %arg2[%mul3A_102, %dma_wait3A_155] : memref<8192x1024xf32, #tpu.memory_space<hbm>> -> memref<16x1024xf32, #tpu.memory_space<hbm>>
    %dma_wait3A_157 = arith.constant 0 : i32
    %dma_wait3A_158 = tpu.memref_slice %arg2[%mul3A_102, %dma_wait3A_157] : memref<8192x1024xf32, #tpu.memory_space<hbm>> -> memref<16x1024xf32, #tpu.memory_space<hbm>>
    tpu.wait_dma2 semaphore(%arg10 : memref<!tpu.dma_semaphore, #tpu.memory_space<semaphore_mem>>) src(%dma_wait3A_158 : memref<16x1024xf32, #tpu.memory_space<hbm>>) dst(%arg4 : memref<16x1024xf32, #tpu.memory_space<vmem>>)
    %add3A_159 = arith.constant 192 : i32
    %add3A_160 = arith.addi %add3A_159, %add3A : i32
    %mul3A_161 = arith.constant 16 : i32
    %mul3A_162 = arith.muli %add3A_160, %mul3A_161 : i32
    %dma_start3A_163 = arith.constant 0 : i32
    %dma_start3A_164 = tpu.memref_slice %arg3[%mul3A_162, %dma_start3A_163] : memref<8192x1024xf32, #tpu.memory_space<hbm>> -> memref<16x1024xf32, #tpu.memory_space<hbm>>
    %dma_start3A_165 = arith.constant 0 : i32
    %dma_start3A_166 = tpu.memref_slice %arg3[%mul3A_162, %dma_start3A_165] : memref<8192x1024xf32, #tpu.memory_space<hbm>> -> memref<16x1024xf32, #tpu.memory_space<hbm>>
    tpu.enqueue_dma source(%arg4 : memref<16x1024xf32, #tpu.memory_space<vmem>>) target(%dma_start3A_166 : memref<16x1024xf32, #tpu.memory_space<hbm>>) target_semaphore(%arg16 : memref<!tpu.dma_semaphore, #tpu.memory_space<semaphore_mem>>)
    %dma_wait3A_167 = arith.constant 0 : i32
    %dma_wait3A_168 = tpu.memref_slice %arg3[%mul3A_90, %dma_wait3A_167] : memref<8192x1024xf32, #tpu.memory_space<hbm>> -> memref<16x1024xf32, #tpu.memory_space<hbm>>
    %dma_wait3A_169 = arith.constant 0 : i32
    %dma_wait3A_170 = tpu.memref_slice %arg3[%mul3A_90, %dma_wait3A_169] : memref<8192x1024xf32, #tpu.memory_space<hbm>> -> memref<16x1024xf32, #tpu.memory_space<hbm>>
    tpu.wait_dma2 semaphore(%arg19 : memref<!tpu.dma_semaphore, #tpu.memory_space<semaphore_mem>>) src(%arg7 : memref<16x1024xf32, #tpu.memory_space<vmem>>) dst(%dma_wait3A_170 : memref<16x1024xf32, #tpu.memory_space<hbm>>)
    %add3A_171 = arith.constant 288 : i32
    %add3A_172 = arith.addi %add3A_171, %add3A : i32
    %mul3A_173 = arith.constant 16 : i32
    %mul3A_174 = arith.muli %add3A_172, %mul3A_173 : i32
    %dma_start3A_175 = arith.constant 0 : i32
    %dma_start3A_176 = tpu.memref_slice %arg2[%mul3A_174, %dma_start3A_175] : memref<8192x1024xf32, #tpu.memory_space<hbm>> -> memref<16x1024xf32, #tpu.memory_space<hbm>>
    %dma_start3A_177 = arith.constant 0 : i32
    %dma_start3A_178 = tpu.memref_slice %arg2[%mul3A_174, %dma_start3A_177] : memref<8192x1024xf32, #tpu.memory_space<hbm>> -> memref<16x1024xf32, #tpu.memory_space<hbm>>
    tpu.enqueue_dma source(%dma_start3A_178 : memref<16x1024xf32, #tpu.memory_space<hbm>>) target(%arg7 : memref<16x1024xf32, #tpu.memory_space<vmem>>) target_semaphore(%arg13 : memref<!tpu.dma_semaphore, #tpu.memory_space<semaphore_mem>>)
    %dma_wait3A_179 = arith.constant 0 : i32
    %dma_wait3A_180 = tpu.memref_slice %arg2[%mul3A_126, %dma_wait3A_179] : memref<8192x1024xf32, #tpu.memory_space<hbm>> -> memref<16x1024xf32, #tpu.memory_space<hbm>>
    %dma_wait3A_181 = arith.constant 0 : i32
    %dma_wait3A_182 = tpu.memref_slice %arg2[%mul3A_126, %dma_wait3A_181] : memref<8192x1024xf32, #tpu.memory_space<hbm>> -> memref<16x1024xf32, #tpu.memory_space<hbm>>
    tpu.wait_dma2 semaphore(%arg11 : memref<!tpu.dma_semaphore, #tpu.memory_space<semaphore_mem>>) src(%dma_wait3A_182 : memref<16x1024xf32, #tpu.memory_space<hbm>>) dst(%arg5 : memref<16x1024xf32, #tpu.memory_space<vmem>>)
    %add3A_183 = arith.constant 224 : i32
    %add3A_184 = arith.addi %add3A_183, %add3A : i32
    %mul3A_185 = arith.constant 16 : i32
    %mul3A_186 = arith.muli %add3A_184, %mul3A_185 : i32
    %dma_start3A_187 = arith.constant 0 : i32
    %dma_start3A_188 = tpu.memref_slice %arg3[%mul3A_186, %dma_start3A_187] : memref<8192x1024xf32, #tpu.memory_space<hbm>> -> memref<16x1024xf32, #tpu.memory_space<hbm>>
    %dma_start3A_189 = arith.constant 0 : i32
    %dma_start3A_190 = tpu.memref_slice %arg3[%mul3A_186, %dma_start3A_189] : memref<8192x1024xf32, #tpu.memory_space<hbm>> -> memref<16x1024xf32, #tpu.memory_space<hbm>>
    tpu.enqueue_dma source(%arg5 : memref<16x1024xf32, #tpu.memory_space<vmem>>) target(%dma_start3A_190 : memref<16x1024xf32, #tpu.memory_space<hbm>>) target_semaphore(%arg17 : memref<!tpu.dma_semaphore, #tpu.memory_space<semaphore_mem>>)
    %dma_wait3A_191 = arith.constant 0 : i32
    %dma_wait3A_192 = tpu.memref_slice %arg3[%mul3A_114, %dma_wait3A_191] : memref<8192x1024xf32, #tpu.memory_space<hbm>> -> memref<16x1024xf32, #tpu.memory_space<hbm>>
    %dma_wait3A_193 = arith.constant 0 : i32
    %dma_wait3A_194 = tpu.memref_slice %arg3[%mul3A_114, %dma_wait3A_193] : memref<8192x1024xf32, #tpu.memory_space<hbm>> -> memref<16x1024xf32, #tpu.memory_space<hbm>>
    tpu.wait_dma2 semaphore(%arg20 : memref<!tpu.dma_semaphore, #tpu.memory_space<semaphore_mem>>) src(%arg8 : memref<16x1024xf32, #tpu.memory_space<vmem>>) dst(%dma_wait3A_194 : memref<16x1024xf32, #tpu.memory_space<hbm>>)
    %add3A_195 = arith.constant 320 : i32
    %add3A_196 = arith.addi %add3A_195, %add3A : i32
    %mul3A_197 = arith.constant 16 : i32
    %mul3A_198 = arith.muli %add3A_196, %mul3A_197 : i32
    %dma_start3A_199 = arith.constant 0 : i32
    %dma_start3A_200 = tpu.memref_slice %arg2[%mul3A_198, %dma_start3A_199] : memref<8192x1024xf32, #tpu.memory_space<hbm>> -> memref<16x1024xf32, #tpu.memory_space<hbm>>
    %dma_start3A_201 = arith.constant 0 : i32
    %dma_start3A_202 = tpu.memref_slice %arg2[%mul3A_198, %dma_start3A_201] : memref<8192x1024xf32, #tpu.memory_space<hbm>> -> memref<16x1024xf32, #tpu.memory_space<hbm>>
    tpu.enqueue_dma source(%dma_start3A_202 : memref<16x1024xf32, #tpu.memory_space<hbm>>) target(%arg8 : memref<16x1024xf32, #tpu.memory_space<vmem>>) target_semaphore(%arg14 : memref<!tpu.dma_semaphore, #tpu.memory_space<semaphore_mem>>)
    %dma_wait3A_203 = arith.constant 0 : i32
    %dma_wait3A_204 = tpu.memref_slice %arg2[%mul3A_150, %dma_wait3A_203] : memref<8192x1024xf32, #tpu.memory_space<hbm>> -> memref<16x1024xf32, #tpu.memory_space<hbm>>
    %dma_wait3A_205 = arith.constant 0 : i32
    %dma_wait3A_206 = tpu.memref_slice %arg2[%mul3A_150, %dma_wait3A_205] : memref<8192x1024xf32, #tpu.memory_space<hbm>> -> memref<16x1024xf32, #tpu.memory_space<hbm>>
    tpu.wait_dma2 semaphore(%arg12 : memref<!tpu.dma_semaphore, #tpu.memory_space<semaphore_mem>>) src(%dma_wait3A_206 : memref<16x1024xf32, #tpu.memory_space<hbm>>) dst(%arg6 : memref<16x1024xf32, #tpu.memory_space<vmem>>)
    %add3A_207 = arith.constant 256 : i32
    %add3A_208 = arith.addi %add3A_207, %add3A : i32
    %mul3A_209 = arith.constant 16 : i32
    %mul3A_210 = arith.muli %add3A_208, %mul3A_209 : i32
    %dma_start3A_211 = arith.constant 0 : i32
    %dma_start3A_212 = tpu.memref_slice %arg3[%mul3A_210, %dma_start3A_211] : memref<8192x1024xf32, #tpu.memory_space<hbm>> -> memref<16x1024xf32, #tpu.memory_space<hbm>>
    %dma_start3A_213 = arith.constant 0 : i32
    %dma_start3A_214 = tpu.memref_slice %arg3[%mul3A_210, %dma_start3A_213] : memref<8192x1024xf32, #tpu.memory_space<hbm>> -> memref<16x1024xf32, #tpu.memory_space<hbm>>
    tpu.enqueue_dma source(%arg6 : memref<16x1024xf32, #tpu.memory_space<vmem>>) target(%dma_start3A_214 : memref<16x1024xf32, #tpu.memory_space<hbm>>) target_semaphore(%arg18 : memref<!tpu.dma_semaphore, #tpu.memory_space<semaphore_mem>>)
    %dma_wait3A_215 = arith.constant 0 : i32
    %dma_wait3A_216 = tpu.memref_slice %arg3[%mul3A_138, %dma_wait3A_215] : memref<8192x1024xf32, #tpu.memory_space<hbm>> -> memref<16x1024xf32, #tpu.memory_space<hbm>>
    %dma_wait3A_217 = arith.constant 0 : i32
    %dma_wait3A_218 = tpu.memref_slice %arg3[%mul3A_138, %dma_wait3A_217] : memref<8192x1024xf32, #tpu.memory_space<hbm>> -> memref<16x1024xf32, #tpu.memory_space<hbm>>
    tpu.wait_dma2 semaphore(%arg21 : memref<!tpu.dma_semaphore, #tpu.memory_space<semaphore_mem>>) src(%arg9 : memref<16x1024xf32, #tpu.memory_space<vmem>>) dst(%dma_wait3A_218 : memref<16x1024xf32, #tpu.memory_space<hbm>>)
    %add3A_219 = arith.constant 352 : i32
    %add3A_220 = arith.addi %add3A_219, %add3A : i32
    %mul3A_221 = arith.constant 16 : i32
    %mul3A_222 = arith.muli %add3A_220, %mul3A_221 : i32
    %dma_start3A_223 = arith.constant 0 : i32
    %dma_start3A_224 = tpu.memref_slice %arg2[%mul3A_222, %dma_start3A_223] : memref<8192x1024xf32, #tpu.memory_space<hbm>> -> memref<16x1024xf32, #tpu.memory_space<hbm>>
    %dma_start3A_225 = arith.constant 0 : i32
    %dma_start3A_226 = tpu.memref_slice %arg2[%mul3A_222, %dma_start3A_225] : memref<8192x1024xf32, #tpu.memory_space<hbm>> -> memref<16x1024xf32, #tpu.memory_space<hbm>>
    tpu.enqueue_dma source(%dma_start3A_226 : memref<16x1024xf32, #tpu.memory_space<hbm>>) target(%arg9 : memref<16x1024xf32, #tpu.memory_space<vmem>>) target_semaphore(%arg15 : memref<!tpu.dma_semaphore, #tpu.memory_space<semaphore_mem>>)
    %dma_wait3A_227 = arith.constant 0 : i32
    %dma_wait3A_228 = tpu.memref_slice %arg2[%mul3A_174, %dma_wait3A_227] : memref<8192x1024xf32, #tpu.memory_space<hbm>> -> memref<16x1024xf32, #tpu.memory_space<hbm>>
    %dma_wait3A_229 = arith.constant 0 : i32
    %dma_wait3A_230 = tpu.memref_slice %arg2[%mul3A_174, %dma_wait3A_229] : memref<8192x1024xf32, #tpu.memory_space<hbm>> -> memref<16x1024xf32, #tpu.memory_space<hbm>>
    tpu.wait_dma2 semaphore(%arg13 : memref<!tpu.dma_semaphore, #tpu.memory_space<semaphore_mem>>) src(%dma_wait3A_230 : memref<16x1024xf32, #tpu.memory_space<hbm>>) dst(%arg7 : memref<16x1024xf32, #tpu.memory_space<vmem>>)
    %add3A_231 = arith.constant 288 : i32
    %add3A_232 = arith.addi %add3A_231, %add3A : i32
    %mul3A_233 = arith.constant 16 : i32
    %mul3A_234 = arith.muli %add3A_232, %mul3A_233 : i32
    %dma_start3A_235 = arith.constant 0 : i32
    %dma_start3A_236 = tpu.memref_slice %arg3[%mul3A_234, %dma_start3A_235] : memref<8192x1024xf32, #tpu.memory_space<hbm>> -> memref<16x1024xf32, #tpu.memory_space<hbm>>
    %dma_start3A_237 = arith.constant 0 : i32
    %dma_start3A_238 = tpu.memref_slice %arg3[%mul3A_234, %dma_start3A_237] : memref<8192x1024xf32, #tpu.memory_space<hbm>> -> memref<16x1024xf32, #tpu.memory_space<hbm>>
    tpu.enqueue_dma source(%arg7 : memref<16x1024xf32, #tpu.memory_space<vmem>>) target(%dma_start3A_238 : memref<16x1024xf32, #tpu.memory_space<hbm>>) target_semaphore(%arg19 : memref<!tpu.dma_semaphore, #tpu.memory_space<semaphore_mem>>)
    %dma_wait3A_239 = arith.constant 0 : i32
    %dma_wait3A_240 = tpu.memref_slice %arg3[%mul3A_162, %dma_wait3A_239] : memref<8192x1024xf32, #tpu.memory_space<hbm>> -> memref<16x1024xf32, #tpu.memory_space<hbm>>
    %dma_wait3A_241 = arith.constant 0 : i32
    %dma_wait3A_242 = tpu.memref_slice %arg3[%mul3A_162, %dma_wait3A_241] : memref<8192x1024xf32, #tpu.memory_space<hbm>> -> memref<16x1024xf32, #tpu.memory_space<hbm>>
    tpu.wait_dma2 semaphore(%arg16 : memref<!tpu.dma_semaphore, #tpu.memory_space<semaphore_mem>>) src(%arg4 : memref<16x1024xf32, #tpu.memory_space<vmem>>) dst(%dma_wait3A_242 : memref<16x1024xf32, #tpu.memory_space<hbm>>)
    %add3A_243 = arith.constant 384 : i32
    %add3A_244 = arith.addi %add3A_243, %add3A : i32
    %mul3A_245 = arith.constant 16 : i32
    %mul3A_246 = arith.muli %add3A_244, %mul3A_245 : i32
    %dma_start3A_247 = arith.constant 0 : i32
    %dma_start3A_248 = tpu.memref_slice %arg2[%mul3A_246, %dma_start3A_247] : memref<8192x1024xf32, #tpu.memory_space<hbm>> -> memref<16x1024xf32, #tpu.memory_space<hbm>>
    %dma_start3A_249 = arith.constant 0 : i32
    %dma_start3A_250 = tpu.memref_slice %arg2[%mul3A_246, %dma_start3A_249] : memref<8192x1024xf32, #tpu.memory_space<hbm>> -> memref<16x1024xf32, #tpu.memory_space<hbm>>
    tpu.enqueue_dma source(%dma_start3A_250 : memref<16x1024xf32, #tpu.memory_space<hbm>>) target(%arg4 : memref<16x1024xf32, #tpu.memory_space<vmem>>) target_semaphore(%arg10 : memref<!tpu.dma_semaphore, #tpu.memory_space<semaphore_mem>>)
    %dma_wait3A_251 = arith.constant 0 : i32
    %dma_wait3A_252 = tpu.memref_slice %arg2[%mul3A_198, %dma_wait3A_251] : memref<8192x1024xf32, #tpu.memory_space<hbm>> -> memref<16x1024xf32, #tpu.memory_space<hbm>>
    %dma_wait3A_253 = arith.constant 0 : i32
    %dma_wait3A_254 = tpu.memref_slice %arg2[%mul3A_198, %dma_wait3A_253] : memref<8192x1024xf32, #tpu.memory_space<hbm>> -> memref<16x1024xf32, #tpu.memory_space<hbm>>
    tpu.wait_dma2 semaphore(%arg14 : memref<!tpu.dma_semaphore, #tpu.memory_space<semaphore_mem>>) src(%dma_wait3A_254 : memref<16x1024xf32, #tpu.memory_space<hbm>>) dst(%arg8 : memref<16x1024xf32, #tpu.memory_space<vmem>>)
    %add3A_255 = arith.constant 320 : i32
    %add3A_256 = arith.addi %add3A_255, %add3A : i32
    %mul3A_257 = arith.constant 16 : i32
    %mul3A_258 = arith.muli %add3A_256, %mul3A_257 : i32
    %dma_start3A_259 = arith.constant 0 : i32
    %dma_start3A_260 = tpu.memref_slice %arg3[%mul3A_258, %dma_start3A_259] : memref<8192x1024xf32, #tpu.memory_space<hbm>> -> memref<16x1024xf32, #tpu.memory_space<hbm>>
    %dma_start3A_261 = arith.constant 0 : i32
    %dma_start3A_262 = tpu.memref_slice %arg3[%mul3A_258, %dma_start3A_261] : memref<8192x1024xf32, #tpu.memory_space<hbm>> -> memref<16x1024xf32, #tpu.memory_space<hbm>>
    tpu.enqueue_dma source(%arg8 : memref<16x1024xf32, #tpu.memory_space<vmem>>) target(%dma_start3A_262 : memref<16x1024xf32, #tpu.memory_space<hbm>>) target_semaphore(%arg20 : memref<!tpu.dma_semaphore, #tpu.memory_space<semaphore_mem>>)
    %dma_wait3A_263 = arith.constant 0 : i32
    %dma_wait3A_264 = tpu.memref_slice %arg3[%mul3A_186, %dma_wait3A_263] : memref<8192x1024xf32, #tpu.memory_space<hbm>> -> memref<16x1024xf32, #tpu.memory_space<hbm>>
    %dma_wait3A_265 = arith.constant 0 : i32
    %dma_wait3A_266 = tpu.memref_slice %arg3[%mul3A_186, %dma_wait3A_265] : memref<8192x1024xf32, #tpu.memory_space<hbm>> -> memref<16x1024xf32, #tpu.memory_space<hbm>>
    tpu.wait_dma2 semaphore(%arg17 : memref<!tpu.dma_semaphore, #tpu.memory_space<semaphore_mem>>) src(%arg5 : memref<16x1024xf32, #tpu.memory_space<vmem>>) dst(%dma_wait3A_266 : memref<16x1024xf32, #tpu.memory_space<hbm>>)
    %add3A_267 = arith.constant 416 : i32
    %add3A_268 = arith.addi %add3A_267, %add3A : i32
    %mul3A_269 = arith.constant 16 : i32
    %mul3A_270 = arith.muli %add3A_268, %mul3A_269 : i32
    %dma_start3A_271 = arith.constant 0 : i32
    %dma_start3A_272 = tpu.memref_slice %arg2[%mul3A_270, %dma_start3A_271] : memref<8192x1024xf32, #tpu.memory_space<hbm>> -> memref<16x1024xf32, #tpu.memory_space<hbm>>
    %dma_start3A_273 = arith.constant 0 : i32
    %dma_start3A_274 = tpu.memref_slice %arg2[%mul3A_270, %dma_start3A_273] : memref<8192x1024xf32, #tpu.memory_space<hbm>> -> memref<16x1024xf32, #tpu.memory_space<hbm>>
    tpu.enqueue_dma source(%dma_start3A_274 : memref<16x1024xf32, #tpu.memory_space<hbm>>) target(%arg5 : memref<16x1024xf32, #tpu.memory_space<vmem>>) target_semaphore(%arg11 : memref<!tpu.dma_semaphore, #tpu.memory_space<semaphore_mem>>)
    %dma_wait3A_275 = arith.constant 0 : i32
    %dma_wait3A_276 = tpu.memref_slice %arg2[%mul3A_222, %dma_wait3A_275] : memref<8192x1024xf32, #tpu.memory_space<hbm>> -> memref<16x1024xf32, #tpu.memory_space<hbm>>
    %dma_wait3A_277 = arith.constant 0 : i32
    %dma_wait3A_278 = tpu.memref_slice %arg2[%mul3A_222, %dma_wait3A_277] : memref<8192x1024xf32, #tpu.memory_space<hbm>> -> memref<16x1024xf32, #tpu.memory_space<hbm>>
    tpu.wait_dma2 semaphore(%arg15 : memref<!tpu.dma_semaphore, #tpu.memory_space<semaphore_mem>>) src(%dma_wait3A_278 : memref<16x1024xf32, #tpu.memory_space<hbm>>) dst(%arg9 : memref<16x1024xf32, #tpu.memory_space<vmem>>)
    %add3A_279 = arith.constant 352 : i32
    %add3A_280 = arith.addi %add3A_279, %add3A : i32
    %mul3A_281 = arith.constant 16 : i32
    %mul3A_282 = arith.muli %add3A_280, %mul3A_281 : i32
    %dma_start3A_283 = arith.constant 0 : i32
    %dma_start3A_284 = tpu.memref_slice %arg3[%mul3A_282, %dma_start3A_283] : memref<8192x1024xf32, #tpu.memory_space<hbm>> -> memref<16x1024xf32, #tpu.memory_space<hbm>>
    %dma_start3A_285 = arith.constant 0 : i32
    %dma_start3A_286 = tpu.memref_slice %arg3[%mul3A_282, %dma_start3A_285] : memref<8192x1024xf32, #tpu.memory_space<hbm>> -> memref<16x1024xf32, #tpu.memory_space<hbm>>
    tpu.enqueue_dma source(%arg9 : memref<16x1024xf32, #tpu.memory_space<vmem>>) target(%dma_start3A_286 : memref<16x1024xf32, #tpu.memory_space<hbm>>) target_semaphore(%arg21 : memref<!tpu.dma_semaphore, #tpu.memory_space<semaphore_mem>>)
    %dma_wait3A_287 = arith.constant 0 : i32
    %dma_wait3A_288 = tpu.memref_slice %arg3[%mul3A_210, %dma_wait3A_287] : memref<8192x1024xf32, #tpu.memory_space<hbm>> -> memref<16x1024xf32, #tpu.memory_space<hbm>>
    %dma_wait3A_289 = arith.constant 0 : i32
    %dma_wait3A_290 = tpu.memref_slice %arg3[%mul3A_210, %dma_wait3A_289] : memref<8192x1024xf32, #tpu.memory_space<hbm>> -> memref<16x1024xf32, #tpu.memory_space<hbm>>
    tpu.wait_dma2 semaphore(%arg18 : memref<!tpu.dma_semaphore, #tpu.memory_space<semaphore_mem>>) src(%arg6 : memref<16x1024xf32, #tpu.memory_space<vmem>>) dst(%dma_wait3A_290 : memref<16x1024xf32, #tpu.memory_space<hbm>>)
    %add3A_291 = arith.constant 448 : i32
    %add3A_292 = arith.addi %add3A_291, %add3A : i32
    %mul3A_293 = arith.constant 16 : i32
    %mul3A_294 = arith.muli %add3A_292, %mul3A_293 : i32
    %dma_start3A_295 = arith.constant 0 : i32
    %dma_start3A_296 = tpu.memref_slice %arg2[%mul3A_294, %dma_start3A_295] : memref<8192x1024xf32, #tpu.memory_space<hbm>> -> memref<16x1024xf32, #tpu.memory_space<hbm>>
    %dma_start3A_297 = arith.constant 0 : i32
    %dma_start3A_298 = tpu.memref_slice %arg2[%mul3A_294, %dma_start3A_297] : memref<8192x1024xf32, #tpu.memory_space<hbm>> -> memref<16x1024xf32, #tpu.memory_space<hbm>>
    tpu.enqueue_dma source(%dma_start3A_298 : memref<16x1024xf32, #tpu.memory_space<hbm>>) target(%arg6 : memref<16x1024xf32, #tpu.memory_space<vmem>>) target_semaphore(%arg12 : memref<!tpu.dma_semaphore, #tpu.memory_space<semaphore_mem>>)
    %dma_wait3A_299 = arith.constant 0 : i32
    %dma_wait3A_300 = tpu.memref_slice %arg2[%mul3A_246, %dma_wait3A_299] : memref<8192x1024xf32, #tpu.memory_space<hbm>> -> memref<16x1024xf32, #tpu.memory_space<hbm>>
    %dma_wait3A_301 = arith.constant 0 : i32
    %dma_wait3A_302 = tpu.memref_slice %arg2[%mul3A_246, %dma_wait3A_301] : memref<8192x1024xf32, #tpu.memory_space<hbm>> -> memref<16x1024xf32, #tpu.memory_space<hbm>>
    tpu.wait_dma2 semaphore(%arg10 : memref<!tpu.dma_semaphore, #tpu.memory_space<semaphore_mem>>) src(%dma_wait3A_302 : memref<16x1024xf32, #tpu.memory_space<hbm>>) dst(%arg4 : memref<16x1024xf32, #tpu.memory_space<vmem>>)
    %add3A_303 = arith.constant 384 : i32
    %add3A_304 = arith.addi %add3A_303, %add3A : i32
    %mul3A_305 = arith.constant 16 : i32
    %mul3A_306 = arith.muli %add3A_304, %mul3A_305 : i32
    %dma_start3A_307 = arith.constant 0 : i32
    %dma_start3A_308 = tpu.memref_slice %arg3[%mul3A_306, %dma_start3A_307] : memref<8192x1024xf32, #tpu.memory_space<hbm>> -> memref<16x1024xf32, #tpu.memory_space<hbm>>
    %dma_start3A_309 = arith.constant 0 : i32
    %dma_start3A_310 = tpu.memref_slice %arg3[%mul3A_306, %dma_start3A_309] : memref<8192x1024xf32, #tpu.memory_space<hbm>> -> memref<16x1024xf32, #tpu.memory_space<hbm>>
    tpu.enqueue_dma source(%arg4 : memref<16x1024xf32, #tpu.memory_space<vmem>>) target(%dma_start3A_310 : memref<16x1024xf32, #tpu.memory_space<hbm>>) target_semaphore(%arg16 : memref<!tpu.dma_semaphore, #tpu.memory_space<semaphore_mem>>)
    %dma_wait3A_311 = arith.constant 0 : i32
    %dma_wait3A_312 = tpu.memref_slice %arg3[%mul3A_234, %dma_wait3A_311] : memref<8192x1024xf32, #tpu.memory_space<hbm>> -> memref<16x1024xf32, #tpu.memory_space<hbm>>
    %dma_wait3A_313 = arith.constant 0 : i32
    %dma_wait3A_314 = tpu.memref_slice %arg3[%mul3A_234, %dma_wait3A_313] : memref<8192x1024xf32, #tpu.memory_space<hbm>> -> memref<16x1024xf32, #tpu.memory_space<hbm>>
    tpu.wait_dma2 semaphore(%arg19 : memref<!tpu.dma_semaphore, #tpu.memory_space<semaphore_mem>>) src(%arg7 : memref<16x1024xf32, #tpu.memory_space<vmem>>) dst(%dma_wait3A_314 : memref<16x1024xf32, #tpu.memory_space<hbm>>)
    %add3A_315 = arith.constant 480 : i32
    %add3A_316 = arith.addi %add3A_315, %add3A : i32
    %mul3A_317 = arith.constant 16 : i32
    %mul3A_318 = arith.muli %add3A_316, %mul3A_317 : i32
    %dma_start3A_319 = arith.constant 0 : i32
    %dma_start3A_320 = tpu.memref_slice %arg2[%mul3A_318, %dma_start3A_319] : memref<8192x1024xf32, #tpu.memory_space<hbm>> -> memref<16x1024xf32, #tpu.memory_space<hbm>>
    %dma_start3A_321 = arith.constant 0 : i32
    %dma_start3A_322 = tpu.memref_slice %arg2[%mul3A_318, %dma_start3A_321] : memref<8192x1024xf32, #tpu.memory_space<hbm>> -> memref<16x1024xf32, #tpu.memory_space<hbm>>
    tpu.enqueue_dma source(%dma_start3A_322 : memref<16x1024xf32, #tpu.memory_space<hbm>>) target(%arg7 : memref<16x1024xf32, #tpu.memory_space<vmem>>) target_semaphore(%arg13 : memref<!tpu.dma_semaphore, #tpu.memory_space<semaphore_mem>>)
    %dma_wait3A_323 = arith.constant 0 : i32
    %dma_wait3A_324 = tpu.memref_slice %arg2[%mul3A_270, %dma_wait3A_323] : memref<8192x1024xf32, #tpu.memory_space<hbm>> -> memref<16x1024xf32, #tpu.memory_space<hbm>>
    %dma_wait3A_325 = arith.constant 0 : i32
    %dma_wait3A_326 = tpu.memref_slice %arg2[%mul3A_270, %dma_wait3A_325] : memref<8192x1024xf32, #tpu.memory_space<hbm>> -> memref<16x1024xf32, #tpu.memory_space<hbm>>
    tpu.wait_dma2 semaphore(%arg11 : memref<!tpu.dma_semaphore, #tpu.memory_space<semaphore_mem>>) src(%dma_wait3A_326 : memref<16x1024xf32, #tpu.memory_space<hbm>>) dst(%arg5 : memref<16x1024xf32, #tpu.memory_space<vmem>>)
    %add3A_327 = arith.constant 416 : i32
    %add3A_328 = arith.addi %add3A_327, %add3A : i32
    %mul3A_329 = arith.constant 16 : i32
    %mul3A_330 = arith.muli %add3A_328, %mul3A_329 : i32
    %dma_start3A_331 = arith.constant 0 : i32
    %dma_start3A_332 = tpu.memref_slice %arg3[%mul3A_330, %dma_start3A_331] : memref<8192x1024xf32, #tpu.memory_space<hbm>> -> memref<16x1024xf32, #tpu.memory_space<hbm>>
    %dma_start3A_333 = arith.constant 0 : i32
    %dma_start3A_334 = tpu.memref_slice %arg3[%mul3A_330, %dma_start3A_333] : memref<8192x1024xf32, #tpu.memory_space<hbm>> -> memref<16x1024xf32, #tpu.memory_space<hbm>>
    tpu.enqueue_dma source(%arg5 : memref<16x1024xf32, #tpu.memory_space<vmem>>) target(%dma_start3A_334 : memref<16x1024xf32, #tpu.memory_space<hbm>>) target_semaphore(%arg17 : memref<!tpu.dma_semaphore, #tpu.memory_space<semaphore_mem>>)
    %dma_wait3A_335 = arith.constant 0 : i32
    %dma_wait3A_336 = tpu.memref_slice %arg2[%mul3A_294, %dma_wait3A_335] : memref<8192x1024xf32, #tpu.memory_space<hbm>> -> memref<16x1024xf32, #tpu.memory_space<hbm>>
    %dma_wait3A_337 = arith.constant 0 : i32
    %dma_wait3A_338 = tpu.memref_slice %arg2[%mul3A_294, %dma_wait3A_337] : memref<8192x1024xf32, #tpu.memory_space<hbm>> -> memref<16x1024xf32, #tpu.memory_space<hbm>>
    tpu.wait_dma2 semaphore(%arg12 : memref<!tpu.dma_semaphore, #tpu.memory_space<semaphore_mem>>) src(%dma_wait3A_338 : memref<16x1024xf32, #tpu.memory_space<hbm>>) dst(%arg6 : memref<16x1024xf32, #tpu.memory_space<vmem>>)
    %add3A_339 = arith.constant 448 : i32
    %add3A_340 = arith.addi %add3A_339, %add3A : i32
    %mul3A_341 = arith.constant 16 : i32
    %mul3A_342 = arith.muli %add3A_340, %mul3A_341 : i32
    %dma_start3A_343 = arith.constant 0 : i32
    %dma_start3A_344 = tpu.memref_slice %arg3[%mul3A_342, %dma_start3A_343] : memref<8192x1024xf32, #tpu.memory_space<hbm>> -> memref<16x1024xf32, #tpu.memory_space<hbm>>
    %dma_start3A_345 = arith.constant 0 : i32
    %dma_start3A_346 = tpu.memref_slice %arg3[%mul3A_342, %dma_start3A_345] : memref<8192x1024xf32, #tpu.memory_space<hbm>> -> memref<16x1024xf32, #tpu.memory_space<hbm>>
    tpu.enqueue_dma source(%arg6 : memref<16x1024xf32, #tpu.memory_space<vmem>>) target(%dma_start3A_346 : memref<16x1024xf32, #tpu.memory_space<hbm>>) target_semaphore(%arg18 : memref<!tpu.dma_semaphore, #tpu.memory_space<semaphore_mem>>)
    %dma_wait3A_347 = arith.constant 0 : i32
    %dma_wait3A_348 = tpu.memref_slice %arg2[%mul3A_318, %dma_wait3A_347] : memref<8192x1024xf32, #tpu.memory_space<hbm>> -> memref<16x1024xf32, #tpu.memory_space<hbm>>
    %dma_wait3A_349 = arith.constant 0 : i32
    %dma_wait3A_350 = tpu.memref_slice %arg2[%mul3A_318, %dma_wait3A_349] : memref<8192x1024xf32, #tpu.memory_space<hbm>> -> memref<16x1024xf32, #tpu.memory_space<hbm>>
    tpu.wait_dma2 semaphore(%arg13 : memref<!tpu.dma_semaphore, #tpu.memory_space<semaphore_mem>>) src(%dma_wait3A_350 : memref<16x1024xf32, #tpu.memory_space<hbm>>) dst(%arg7 : memref<16x1024xf32, #tpu.memory_space<vmem>>)
    %add3A_351 = arith.constant 480 : i32
    %add3A_352 = arith.addi %add3A_351, %add3A : i32
    %mul3A_353 = arith.constant 16 : i32
    %mul3A_354 = arith.muli %add3A_352, %mul3A_353 : i32
    %dma_start3A_355 = arith.constant 0 : i32
    %dma_start3A_356 = tpu.memref_slice %arg3[%mul3A_354, %dma_start3A_355] : memref<8192x1024xf32, #tpu.memory_space<hbm>> -> memref<16x1024xf32, #tpu.memory_space<hbm>>
    %dma_start3A_357 = arith.constant 0 : i32
    %dma_start3A_358 = tpu.memref_slice %arg3[%mul3A_354, %dma_start3A_357] : memref<8192x1024xf32, #tpu.memory_space<hbm>> -> memref<16x1024xf32, #tpu.memory_space<hbm>>
    tpu.enqueue_dma source(%arg7 : memref<16x1024xf32, #tpu.memory_space<vmem>>) target(%dma_start3A_358 : memref<16x1024xf32, #tpu.memory_space<hbm>>) target_semaphore(%arg19 : memref<!tpu.dma_semaphore, #tpu.memory_space<semaphore_mem>>)
    %dma_wait3A_359 = arith.constant 0 : i32
    %dma_wait3A_360 = tpu.memref_slice %arg3[%mul3A_306, %dma_wait3A_359] : memref<8192x1024xf32, #tpu.memory_space<hbm>> -> memref<16x1024xf32, #tpu.memory_space<hbm>>
    %dma_wait3A_361 = arith.constant 0 : i32
    %dma_wait3A_362 = tpu.memref_slice %arg3[%mul3A_306, %dma_wait3A_361] : memref<8192x1024xf32, #tpu.memory_space<hbm>> -> memref<16x1024xf32, #tpu.memory_space<hbm>>
    tpu.wait_dma2 semaphore(%arg16 : memref<!tpu.dma_semaphore, #tpu.memory_space<semaphore_mem>>) src(%arg4 : memref<16x1024xf32, #tpu.memory_space<vmem>>) dst(%dma_wait3A_362 : memref<16x1024xf32, #tpu.memory_space<hbm>>)
    %dma_wait3A_363 = arith.constant 0 : i32
    %dma_wait3A_364 = tpu.memref_slice %arg3[%mul3A_330, %dma_wait3A_363] : memref<8192x1024xf32, #tpu.memory_space<hbm>> -> memref<16x1024xf32, #tpu.memory_space<hbm>>
    %dma_wait3A_365 = arith.constant 0 : i32
    %dma_wait3A_366 = tpu.memref_slice %arg3[%mul3A_330, %dma_wait3A_365] : memref<8192x1024xf32, #tpu.memory_space<hbm>> -> memref<16x1024xf32, #tpu.memory_space<hbm>>
    tpu.wait_dma2 semaphore(%arg17 : memref<!tpu.dma_semaphore, #tpu.memory_space<semaphore_mem>>) src(%arg5 : memref<16x1024xf32, #tpu.memory_space<vmem>>) dst(%dma_wait3A_366 : memref<16x1024xf32, #tpu.memory_space<hbm>>)
    %dma_wait3A_367 = arith.constant 0 : i32
    %dma_wait3A_368 = tpu.memref_slice %arg3[%mul3A_342, %dma_wait3A_367] : memref<8192x1024xf32, #tpu.memory_space<hbm>> -> memref<16x1024xf32, #tpu.memory_space<hbm>>
    %dma_wait3A_369 = arith.constant 0 : i32
    %dma_wait3A_370 = tpu.memref_slice %arg3[%mul3A_342, %dma_wait3A_369] : memref<8192x1024xf32, #tpu.memory_space<hbm>> -> memref<16x1024xf32, #tpu.memory_space<hbm>>
    tpu.wait_dma2 semaphore(%arg18 : memref<!tpu.dma_semaphore, #tpu.memory_space<semaphore_mem>>) src(%arg6 : memref<16x1024xf32, #tpu.memory_space<vmem>>) dst(%dma_wait3A_370 : memref<16x1024xf32, #tpu.memory_space<hbm>>)
    %dma_wait3A_371 = arith.constant 0 : i32
    %dma_wait3A_372 = tpu.memref_slice %arg3[%mul3A_354, %dma_wait3A_371] : memref<8192x1024xf32, #tpu.memory_space<hbm>> -> memref<16x1024xf32, #tpu.memory_space<hbm>>
    %dma_wait3A_373 = arith.constant 0 : i32
    %dma_wait3A_374 = tpu.memref_slice %arg3[%mul3A_354, %dma_wait3A_373] : memref<8192x1024xf32, #tpu.memory_space<hbm>> -> memref<16x1024xf32, #tpu.memory_space<hbm>>
    tpu.wait_dma2 semaphore(%arg19 : memref<!tpu.dma_semaphore, #tpu.memory_space<semaphore_mem>>) src(%arg7 : memref<16x1024xf32, #tpu.memory_space<vmem>>) dst(%dma_wait3A_374 : memref<16x1024xf32, #tpu.memory_space<hbm>>)
    %dma_wait3A_375 = arith.constant 0 : i32
    %dma_wait3A_376 = tpu.memref_slice %arg3[%mul3A_258, %dma_wait3A_375] : memref<8192x1024xf32, #tpu.memory_space<hbm>> -> memref<16x1024xf32, #tpu.memory_space<hbm>>
    %dma_wait3A_377 = arith.constant 0 : i32
    %dma_wait3A_378 = tpu.memref_slice %arg3[%mul3A_258, %dma_wait3A_377] : memref<8192x1024xf32, #tpu.memory_space<hbm>> -> memref<16x1024xf32, #tpu.memory_space<hbm>>
    tpu.wait_dma2 semaphore(%arg20 : memref<!tpu.dma_semaphore, #tpu.memory_space<semaphore_mem>>) src(%arg8 : memref<16x1024xf32, #tpu.memory_space<vmem>>) dst(%dma_wait3A_378 : memref<16x1024xf32, #tpu.memory_space<hbm>>)
    %dma_wait3A_379 = arith.constant 0 : i32
    %dma_wait3A_380 = tpu.memref_slice %arg3[%mul3A_282, %dma_wait3A_379] : memref<8192x1024xf32, #tpu.memory_space<hbm>> -> memref<16x1024xf32, #tpu.memory_space<hbm>>
    %dma_wait3A_381 = arith.constant 0 : i32
    %dma_wait3A_382 = tpu.memref_slice %arg3[%mul3A_282, %dma_wait3A_381] : memref<8192x1024xf32, #tpu.memory_space<hbm>> -> memref<16x1024xf32, #tpu.memory_space<hbm>>
    tpu.wait_dma2 semaphore(%arg21 : memref<!tpu.dma_semaphore, #tpu.memory_space<semaphore_mem>>) src(%arg9 : memref<16x1024xf32, #tpu.memory_space<vmem>>) dst(%dma_wait3A_382 : memref<16x1024xf32, #tpu.memory_space<hbm>>)
    return
  }
}

</mosaic_0001>

<sc_bundles>
// kernel: kernel.3.cloned.1.call-start
scs
__scs_entry_jumppad:
0x0: {  	(pc) =	sbr.rel $0x88, $3  }
0x1: {  	(tag) =	ssettag $0x0;
	lr =	simm.s32 $0x1  }
0x2: {  	[smem:$0x3FA0] =	sst lr;
	_ =	strace $0xD0000000  }
0x3: {  	_ = 	snop  }
0x4: {  	_ = 	snop  }
0x5: {  	_ = 	snop  }
0x6: {  	_ = 	snop  }
0x7: {  	_ = 	snop  }
__scs_overlays_trampoline_lowered:
0x8: {  	[smem:$0x3FAF] =	sst s0  }
0x9: {  	[smem:$0x3FB0] =	sst s1  }
0xa: {  	[smem:$0x3FB1] =	sst s2  }
0xb: {  	[smem:$0x3FB2] =	sst s3  }
0xc: {  	[smem:$0x3FB3] =	sst s4  }
0xd: {  	[smem:$0x3FB4] =	sst s5  }
0xe: {  	[smem:$0x3FB5] =	sst s6  }
0xf: {  	[smem:$0x3FB6] =	sst s7  }
0x10: {  	[smem:$0x3FB7] =	sst s8  }
0x11: {  	[smem:$0x3FB8] =	sst s9;
	s0 =	simm.s32 @!p0 $0x0  }
0x12: {  	s1 =	sld [smem:$0x3F9E];
	s0 =	simm.s32 @p0 $0x1  }
0x13: {  	[smem:$0x3FB9] =	sst s0;
	s0 =	simm.s32 @!p1 $0x0  }
0x14: {  	s2 =	sld [smem:$0x3F9D];
	s0 =	simm.s32 @p1 $0x1  }
0x15: {  	[smem:$0x3FBA] =	sst s0;
	s0 =	simm.s32 @!p2 $0x0  }
0x16: {  	s3 =	sld [smem:$0x3FDB];
	s0 =	simm.s32 @p2 $0x1  }
0x17: {  	s4 =	simm.s32 $0x1BF5;
	[smem:$0x3FBC] =	sst s0  }
0x18: {  	s0 =	sld [smem:$0x3F9F];
	_ =	swait.ge [sflag:s4], $0x0  }
0x19: {  	s7 =	sld [smem:$0x3FA0]  }
0x1a: {  	s8 =	sadd.s32 $0xFFFFE003, lr  }
0x1b: {  	s9 =	sadd.s32 $0xFFFFFEF7, lr;
	s5 =	simm.s32 $0xFFFFFFFF;
	p2 =	slt.u32 s8, $0xFFFFF086  }
0x1c: {  	p1 =	slt.u32 s9, $0xF7A;
	s5 =	simm.s32 @!p2 $0x0  }
0x1d: {  	s5 =	simm.s32 @p1 $0x1;
	p0 =	seq.s32 s7, s2  }
0x1e: {  	s7 =	smul.u32 @!p0 $0xF7A, s2;
	p2 =	seq.s32 @!p0 s5, $0x0  }
0x1f: {  	s9 =	smul.u32 $0xF7A, s1;
	s8 =	simm.s32 @!p0 $0x1BF5;
	p2 =	por !p2, p0  }
0x20: {  	[sflag:s8] =	ssyncset.s32 @!p0 $0xFFFFF086;
	s6 =	sadd.s32 @!p0 s3, s7;
	s7 =	simm.s32 @!p0 $0x108  }
0x21: {  	s3 =	sadd.s32 s3, s9;
	s6 =	sadd.s32 @!p0 $0x88, s6;
	s7 =	simm.s32 @p2 $0x1082  }
0x22: {  	[simem:s7], [sflag:s8] =	dma.local @!p0 [hbm:s6], $0xF7A  }
0x23: {  	s9 =	sor.u32 $0xD0000000, s2;
	s6 =	simm.s32 $0x108;
	_ =	swait.ge @!p0 [sflag:s8], $0x0  }
0x24: {  	s3 =	sadd.s32 $0x88, s3;
	s6 =	simm.s32 @!p1 $0x1082;
	[sflag:s4] =	ssyncset.s32 $0xFFFFF086  }
0x25: {  	[simem:s6], [sflag:s4] =	dma.local [hbm:s3], $0xF7A  }
0x26: {  	[smem:$0x3FA0] =	sst s1;
	(tag) =	ssettag s2;
	_ =	strace s9  }
0x27: {  	s1 =	sld [smem:$0x3FB0]  }
0x28: {  	s2 =	sld [smem:$0x3FB1]  }
0x29: {  	s4 =	sld [smem:$0x3FB3]  }
0x2a: {  	p0 =	seq.s32 s5, $0x0;
	s5 =	sld [smem:$0x3FB4]  }
0x2b: {  	s6 =	sld [smem:$0x3FB5]  }
0x2c: {  	s7 =	sld [smem:$0x3FB6]  }
0x2d: {  	s3 =	simm.s32 $0x108;
	s8 =	sld [smem:$0x3FB7]  }
0x2e: {  	s3 =	simm.s32 @!p0 $0x1082;
	s9 =	sld [smem:$0x3FB8]  }
0x2f: {  	lr =	sadd.s32 s0, s3;
	s0 =	sld [smem:$0x3FAF]  }
0x30: {  	s3 =	sld [smem:$0x3FB2]  }
0x31: {  	[smem:$0x3FBB] =	sst s10  }
0x32: {  	s10 =	sld [smem:$0x3FB9];
	_ =	sdelay $0x3  }
0x33: {  	p0 =	seq.s32 s10, $0x1;
	s10 =	sld [smem:$0x3FBB];
	_ =	sdelay $0x3  }
0x34: {  	[smem:$0x3FBB] =	sst s10  }
0x35: {  	s10 =	sld [smem:$0x3FBA];
	_ =	sdelay $0x3  }
0x36: {  	p1 =	seq.s32 s10, $0x1;
	s10 =	sld [smem:$0x3FBB];
	_ =	sdelay $0x3  }
0x37: {  	[smem:$0x3FBB] =	sst s10  }
0x38: {  	s10 =	sld [smem:$0x3FBC]  }
0x39: {  	_ = 	snop;
	(pc) =	sbr.ind lr, $3  }
0x3a: {  	_ = 	snop  }
0x3b: {  	_ = 	snop  }
0x3c: {  	p2 =	seq.s32 s10, $0x1;
	s10 =	sld [smem:$0x3FBB]  }
0x3d: {  	_ =	shalt  }
0x3e: {  	_ =	shalt  }
0x3f: {  	_ =	shalt  }
0x40: {  	_ =	shalt  }
0x41: {  	_ =	shalt  }
0x42: {  	_ =	shalt  }
0x43: {  	_ =	shalt  }
0x44: {  	_ =	shalt  }
0x45: {  	_ =	shalt  }
0x46: {  	_ =	shalt  }
0x47: {  	_ =	shalt  }
0x48: {  	_ =	shalt  }
0x49: {  	_ =	shalt  }
0x4a: {  	_ =	shalt  }
0x4b: {  	_ =	shalt  }
0x4c: {  	_ =	shalt  }
0x4d: {  	_ =	shalt  }
0x4e: {  	_ =	shalt  }
0x4f: {  	_ =	shalt  }
0x50: {  	_ =	shalt  }
0x51: {  	_ =	shalt  }
0x52: {  	_ =	shalt  }
0x53: {  	_ =	shalt  }
0x54: {  	_ =	shalt  }
0x55: {  	_ =	shalt  }
0x56: {  	_ =	shalt  }
0x57: {  	_ =	shalt  }
0x58: {  	_ =	shalt  }
0x59: {  	_ =	shalt  }
0x5a: {  	_ =	shalt  }
0x5b: {  	_ =	shalt  }
0x5c: {  	_ =	shalt  }
0x5d: {  	_ =	shalt  }
0x5e: {  	_ =	shalt  }
0x5f: {  	_ =	shalt  }
0x60: {  	_ =	shalt  }
0x61: {  	_ =	shalt  }
0x62: {  	_ =	shalt  }
0x63: {  	_ =	shalt  }
0x64: {  	_ =	shalt  }
0x65: {  	_ =	shalt  }
0x66: {  	_ =	shalt  }
0x67: {  	_ =	shalt  }
0x68: {  	_ =	shalt  }
0x69: {  	_ =	shalt  }
0x6a: {  	_ =	shalt  }
0x6b: {  	_ =	shalt  }
0x6c: {  	_ =	shalt  }
0x6d: {  	_ =	shalt  }
0x6e: {  	_ =	shalt  }
0x6f: {  	_ =	shalt  }
0x70: {  	_ =	shalt  }
0x71: {  	_ =	shalt  }
0x72: {  	_ =	shalt  }
0x73: {  	_ =	shalt  }
0x74: {  	_ =	shalt  }
0x75: {  	_ =	shalt  }
0x76: {  	_ =	shalt  }
0x77: {  	_ =	shalt  }
0x78: {  	_ =	shalt  }
0x79: {  	_ =	shalt  }
0x7a: {  	_ =	shalt  }
0x7b: {  	_ =	shalt  }
0x7c: {  	_ =	shalt  }
0x7d: {  	_ =	shalt  }
0x7e: {  	_ =	shalt  }
0x7f: {  	_ =	shalt  }
0x80: {  	_ =	shalt  }
0x81: {  	_ =	shalt  }
0x82: {  	_ =	shalt  }
0x83: {  	_ =	shalt  }
0x84: {  	_ =	shalt  }
0x85: {  	_ =	shalt  }
0x86: {  	_ =	shalt  }
0x87: {  	_ =	shalt  }
.Lfunc_end0:
.L_simem_size_0:
called_computation_lowered:
.L_overlay_start_0:
0x88: {  	s2 =	sld [smem:$0x3FD9]  }
0x89: {  	s3 =	sld [smem:$0x3FFE];
	_ =	sdelay $0x1  }
0x8a: {  	s1 =	srdreg.scid  }
0x8b: {  	s0 =	sand.u32 $0x1, s1  }
0x8c: {  	s18 =	sshll.u32 s0, $0xA;
	s2 =	sadd.s32 s3, s2  }
0x8d: {  	s2 =	sadd.s32 s2, s18  }
0x8e: {  	[smem:$0x3FC7] =	sst s2  }
0x8f: {  	_ = 	snop  }
0x90: {  	s2 =	sld [smem:$0x3FC9]  }
0x91: {  	s19 =	sld [smem:$0x3FD0];
	(tm) =	ssettm $0x1  }
0x92: {  	s4 =	sld [smem:$0x3FFB];
	_ =	sdelay $0x3  }
0x93: {  	_ =	strace s4  }
0x94: {  	s4 =	sld [smem:$0x3FFC];
	_ =	sdelay $0x3  }
0x95: {  	_ =	strace s4  }
0x96: {  	s4 =	sld [smem:$0x3FFD];
	_ =	sdelay $0x3  }
0x97: {  	_ =	strace s4  }
0x98: {  	_ =	strace $0x8FFFFFFF  }
0x99: {  	s20 =	sld [smem:$0x3FDB];
	_ =	sdelay $0x1  }
0x9a: {  	s5 =	simm.s32 $_scs_section_size  }
0x9b: {  	s6 =	simm.s32 $_size__tile_overlayer_lowered;
	s7 =	simm.s32 $_tile_overlayer_lowered  }
0x9c: {  	s23 =	simm.s32 $0x1BFF;
	s22 =	sshll.u32 s7, $0x1;
	s4 =	sadd.s32 s5, s20  }
0x9d: {  	s8 =	simm.s32 $0x0;
	s21 =	sshll.u32 s6, $0x1;
	s6 =	sadd.s32 s22, s4  }
0x9e: {  	[timem:s8], [sflag:s23] =	dma.local [hbm:s6], s21  }
0x9f: {  	_ =	swait.ge [sflag:s23], s21  }
0xa0: {  	s5 =	ssub.s32 $0x0, s21;
	[sflag:s23] =	ssyncset.done $0x0  }
0xa1: {  	[sflag:s23] =	ssyncadd.s32 s5;
	_ =	sdelay $0x1  }
0xa2: {  	s24 =	simm.s32 $0x1B8B  }
0xa3: {  	_ =	swait.ge [sflag:s24], $0x1  }
0xa4: {  	[sflag:s24] =	ssyncset.done $0x0  }
0xa5: {  	s25 =	simm.s32 $0x1B8E;
	[sflag:s24] =	ssyncadd.s32 $0xFFFFFFFF  }
0xa6: {  	s26 =	simm.s32 $execute0_lowered;
	[smem:$0x3FD2] =	sst s25  }
0xa7: {  	s5 =	sshll.u32 s26, $0x1;
	_ =	strace $0x80000046;
	[dreg:$0x1] =	wrdreg $0xFFFFFFFF  }
0xa8: {  	s28 =	simm.s32 $_size_execute0_lowered;
	s4 =	sadd.s32 s4, s5;
	[dreg:$0x0] =	wrdreg $0x0  }
0xa9: {  	s5 =	sshll.u32 s28, $0x1;
	[dreg:$0x2] =	wrdreg s4  }
0xaa: {  	[dreg:$0x3] =	wrdreg s5  }
0xab: {  	[dreg:$0x4] =	wrdreg $0xC0  }
0xac: {  	_ =	task [dreg:s8], $0x5FFFF  }
0xad: {  	[dreg:$0x1] =	wrdreg $0xFFFFFFFF  }
0xae: {  	[dreg:$0x0] =	wrdreg $0x60  }
0xaf: {  	[dreg:$0x2] =	wrdreg s2  }
0xb0: {  	[dreg:$0x3] =	wrdreg s19  }
0xb1: {  	[dreg:$0x4] =	wrdreg $0x9  }
0xb2: {  	_ =	task.clear_ibuf [dreg:s8], $0x5FFFF;
	_ =	strace $0x90000046  }
0xb3: {  	s29 =	simm.s32 $0x9;
	_ =	strace $0x80000048  }
0xb4: {  	_ =	swait.ge [sflag:s29], $0x1  }
0xb5: {  	[sflag:s29] =	ssyncadd.s32 $0xFFFFFFFF  }
0xb6: {  	_ =	strace $0x90000048  }
0xb7: {  	_ =	sfence  }
0xb8: {  	s30 =	sld [smem:$0x0];
	_ =	sdelay $0x2  }
0xb9: {  	s31 =	sshll.u32 s1, $0xD;
	s1 =	sshrl.u32 s1, $0x2  }
0xba: {  	s3 =	sand.u32 $0x4000, s31;
	s1 =	sadd.s32 s1, s30  }
0xbb: {  	s0 =	sor.u32 s3, s0;
	s1 =	sshll.u32 s1, $0x11  }
0xbc: {  	s0 =	sor.u32 s1, s0  }
0xbd: {  	s0 =	sadd.s32 $0x8F2B, s0  }
0xbe: {  	[sflag:s0] =	ssyncadd.remote.s32 $0x1  }
0xbf: {  	_ =	sfence.sel $0xFFFF  }
0xc0: {  	[dreg:$0x0] =	wrdreg $0xFFFFFFFF;
	(pc) =	sbr.abs _section_cstart, $3  }
0xc1: {  	[dreg:$0x1] =	wrdreg $0xFFFFFFFF  }
0xc2: {  	_ =	task.clear_ibuf [dreg:s8], $0x2FFFF;
	_ =	strace $0x9FFFFFFF  }
0xc3: {  	(tm) =	ssettm $0x7FFFFFFF  }
tec
execute0_lowered:
.L_overlay_start_1:
0x0: {  	(tag) =	ssettag $0x1  }
0x1: {  	s3 =	rddreg [dreg:$0x0]  }
0x2: {  	s0 =	rddreg [dreg:$0x1];
	s1 =	srdreg.scid  }
0x3: {  	s4 =	stileid.u32;
	s2 =	simm.s32 $0x0;
	s1 =	sand.u32 $0x1, s1  }
0x4: {  	s29 =	simm.s32 $0x10000;
	s4 =	sshll.u32 s4, $0xC;
	s5 =	sshll.u32 s1, $0xB  }
0x5: {  	s28 =	simm.s32 $0x14000;
	[smem:$0x7FF] =	sst s2;
	s4 =	sor.u32 s5, s4  }
0x6: {  	s31 =	simm.s32 $0x5;
	_ =	strace $0x80000047;
	s5 =	sadd.s32 s3, s4  }
0x7: {  	s6 =	sor.u32 $0x10000, s4;
	s20 =	sadd.s32 s0, s4;
	[dreg:$0x3] =	wrdreg s5  }
0x8: {  	s7 =	sor.u32 $0x20000, s4;
	s17 =	sadd.s32 s3, s6;
	[dreg:$0x7] =	wrdreg s20  }
0x9: {  	s8 =	sor.u32 $0x30000, s4;
	s18 =	sadd.s32 s3, s7;
	[dreg:$0x4] =	wrdreg s17  }
0xa: {  	p0 =	por $0x0, $0x0;
	s19 =	sadd.s32 s3, s8;
	[dreg:$0x5] =	wrdreg s18  }
0xb: {  	s22 =	sor.u32 $0x40000, s4;
	s21 =	sadd.s32 s0, s6;
	[dreg:$0x6] =	wrdreg s19  }
0xc: {  	s30 =	simm.s32 $0x6;
	s23 =	sadd.s32 s3, s22;
	[dreg:$0x8] =	wrdreg s21  }
0xd: {  	s25 =	sor.u32 $0x50000, s4;
	s24 =	sadd.s32 s0, s7;
	[dreg:$0x9] =	wrdreg s23  }
0xe: {  	s1 =	ssub.s32 $0x2, s1;
	s26 =	sadd.s32 s3, s25;
	[dreg:$0xa] =	wrdreg s24  }
0xf: {  	s9 =	sor.u32 $0x60000, s4;
	s8 =	sadd.s32 s0, s8;
	[dreg:$0xb] =	wrdreg s26  }
0x10: {  	s12 =	sor.u32 $0x70000, s4;
	s10 =	sadd.s32 s3, s9;
	[dreg:$0xc] =	wrdreg s8  }
0x11: {  	s15 =	sor.u32 $0x80000, s4;
	s11 =	sadd.s32 s0, s22;
	[dreg:$0xd] =	wrdreg s10  }
0x12: {  	s13 =	sadd.s32 s3, s12;
	s14 =	sadd.s32 s0, s25;
	[dreg:$0xe] =	wrdreg s11  }
0x13: {  	s16 =	sadd.s32 s3, s15;
	s20 =	sadd.s32 s0, s12;
	[dreg:$0xf] =	wrdreg s13  }
0x14: {  	s6 =	simm.s32 $0xC000;
	s7 =	simm.s32 $0xB;
	[dreg:$0x10] =	wrdreg s14  }
0x15: {  	s5 =	simm.s32 $0xC;
	[dreg:$0x11] =	wrdreg s16;
	s17 =	sadd.s32 s0, s9  }
0x16: {  	s18 =	sor.u32 $0x90000, s4;
	s21 =	sor.u32 $0xA0000, s4;
	[dreg:$0x14] =	wrdreg s20  }
0x17: {  	s23 =	sadd.s32 s0, s15;
	s24 =	sor.u32 $0xB0000, s4;
	s9 =	sshrl.u32 s1, $0x1  }
0x18: {  	s10 =	sor.u32 $0xC0000, s4;
	s11 =	sor.u32 $0xD0000, s4;
	s13 =	sor.u32 $0xE0000, s4  }
0x19: {  	s14 =	sor.u32 $0xF0000, s4;
	s20 =	simm.s32 $0x2;
	s16 =	simm.s32 $0x4  }
0x1a: {  	[dreg:$0x12] =	wrdreg s17;
	s19 =	sadd.s32 s3, s18;
	s22 =	sadd.s32 s3, s21  }
0x1b: {  	[dreg:$0x16] =	wrdreg s23;
	s26 =	sadd.s32 s3, s24;
	s1 =	ssub.s32 s1, s9  }
0x1c: {  	s25 =	sadd.s32 s3, s10;
	s23 =	sadd.s32 s0, s21;
	s21 =	sadd.s32 s0, s24  }
0x1d: {  	s17 =	sadd.s32 s0, s10;
	s12 =	sadd.s32 s3, s14;
	s8 =	sadd.s32 s0, s11  }
0x1e: {  	s4 =	sadd.s32 s0, s13;
	s9 =	simm.s32 $0x8000;
	s15 =	smax.u32 s1, $0x1  }
0x1f: {  	s24 =	simm.s32 $0x1;
	[dreg:$0x13] =	wrdreg s19;
	p1 =	sne.s32 s15, $0x1  }
.Ltmp0:
0x20: {  	s10 =	simm.s32 $0xA;
	[dreg:$0x15] =	wrdreg s22;
	(pc) =	sbr.rel @!p1 .LBB2_3-.Ltmp0, $4  }
0x21: {  	[dreg:$0x17] =	wrdreg s26;
	s26 =	sadd.s32 s0, s18;
	s22 =	sadd.s32 s3, s11  }
0x22: {  	s19 =	sadd.s32 s3, s13;
	s3 =	sadd.s32 s0, s14;
	s14 =	simm.s32 $0x4000  }
0x23: {  	s18 =	simm.s32 $0x3;
	s11 =	simm.s32 $0x7;
	s13 =	simm.s32 $0x9  }
0x24: {  	s1 =	rddreg [dreg:$0x3];
	s0 =	sadd.s32 $0xFFFFFFFF, s15;
	s15 =	simm.s32 $0x8  }
0x25: {  	[dreg:$0x18] =	wrdreg s0  }
0x26: {  	[tilespmem:s2], [sflag:$0x1] =	stream.linear.gather [hbm4b:s1+s2], $0x4000, $0x38;
	[tilespmem:$0x18000] =	vst v63  }
0x27: {  	s0 =	rddreg [dreg:$0x4]  }
0x28: {  	[tilespmem:s14], [sflag:$0x2] =	stream.linear.gather [hbm4b:s0+s2], $0x4000, $0x38;
	[tilespmem:$0x18000] =	vst v63  }
0x29: {  	s1 =	rddreg [dreg:$0x5]  }
0x2a: {  	[tilespmem:s9], [sflag:$0x3] =	stream.linear.gather [hbm4b:s1+s2], $0x4000, $0x38;
	[tilespmem:$0x18000] =	vst v63  }
0x2b: {  	s0 =	rddreg [dreg:$0x6]  }
0x2c: {  	[tilespmem:s6], [sflag:$0x4] =	stream.linear.gather [hbm4b:s0+s2], $0x4000, $0x38;
	[tilespmem:$0x18000] =	vst v63  }
0x2d: {  	_ =	swait.ge [sflag:s24], $0x4000  }
0x2e: {  	[sflag:s24] =	ssyncset.done $0x0  }
0x2f: {  	s1 =	rddreg [dreg:$0x7];
	[sflag:s24] =	ssyncadd.s32 $0xFFFFC000  }
0x30: {  	[hbm4b:s1+s2] =	stream.linear.scatter [tilespmem:s2], [sflag:$0x7], $0x4000, $0x38;
	[tilespmem:$0x18000] =	vst v63  }
0x31: {  	_ =	swait.ge [sflag:s20], $0x4000  }
0x32: {  	[sflag:s20] =	ssyncset.done $0x0  }
0x33: {  	s0 =	rddreg [dreg:$0x8];
	[sflag:s20] =	ssyncadd.s32 $0xFFFFC000  }
0x34: {  	[hbm4b:s0+s2] =	stream.linear.scatter [tilespmem:s14], [sflag:$0x8], $0x4000, $0x38;
	[tilespmem:$0x18000] =	vst v63  }
0x35: {  	s1 =	rddreg [dreg:$0x9]  }
0x36: {  	[tilespmem:s29], [sflag:$0x5] =	stream.linear.gather [hbm4b:s1+s2], $0x4000, $0x38;
	[tilespmem:$0x18000] =	vst v63  }
0x37: {  	_ =	swait.ge [sflag:s18], $0x4000  }
0x38: {  	[sflag:s18] =	ssyncset.done $0x0  }
0x39: {  	s0 =	rddreg [dreg:$0xa];
	[sflag:s18] =	ssyncadd.s32 $0xFFFFC000  }
0x3a: {  	[hbm4b:s0+s2] =	stream.linear.scatter [tilespmem:s9], [sflag:$0x9], $0x4000, $0x38;
	[tilespmem:$0x18000] =	vst v63  }
0x3b: {  	s1 =	rddreg [dreg:$0xb]  }
0x3c: {  	[tilespmem:s28], [sflag:$0x6] =	stream.linear.gather [hbm4b:s1+s2], $0x4000, $0x38;
	[tilespmem:$0x18000] =	vst v63  }
0x3d: {  	_ =	swait.ge [sflag:s16], $0x4000  }
0x3e: {  	[sflag:s16] =	ssyncset.done $0x0  }
0x3f: {  	s1 =	rddreg [dreg:$0xc];
	[sflag:s16] =	ssyncadd.s32 $0xFFFFC000  }
0x40: {  	[hbm4b:s1+s2] =	stream.linear.scatter [tilespmem:s6], [sflag:$0xA], $0x4000, $0x38;
	[tilespmem:$0x18000] =	vst v63  }
0x41: {  	_ =	swait.ge [sflag:s11], $0x4000  }
0x42: {  	[sflag:s11] =	ssyncset.done $0x0  }
0x43: {  	s1 =	rddreg [dreg:$0xd];
	[sflag:s11] =	ssyncadd.s32 $0xFFFFC000  }
0x44: {  	[tilespmem:s2], [sflag:$0x1] =	stream.linear.gather [hbm4b:s1+s2], $0x4000, $0x38;
	[tilespmem:$0x18000] =	vst v63  }
0x45: {  	_ =	swait.ge [sflag:s31], $0x4000  }
0x46: {  	[sflag:s31] =	ssyncset.done $0x0  }
0x47: {  	s1 =	rddreg [dreg:$0xe];
	[sflag:s31] =	ssyncadd.s32 $0xFFFFC000  }
0x48: {  	[hbm4b:s1+s2] =	stream.linear.scatter [tilespmem:s29], [sflag:$0xB], $0x4000, $0x38;
	[tilespmem:$0x18000] =	vst v63  }
0x49: {  	_ =	swait.ge [sflag:s15], $0x4000  }
0x4a: {  	[sflag:s15] =	ssyncset.done $0x0  }
0x4b: {  	s1 =	rddreg [dreg:$0xf];
	[sflag:s15] =	ssyncadd.s32 $0xFFFFC000  }
0x4c: {  	[tilespmem:s14], [sflag:$0x2] =	stream.linear.gather [hbm4b:s1+s2], $0x4000, $0x38;
	[tilespmem:$0x18000] =	vst v63  }
0x4d: {  	_ =	swait.ge [sflag:s30], $0x4000  }
0x4e: {  	[sflag:s30] =	ssyncset.done $0x0  }
0x4f: {  	s1 =	rddreg [dreg:$0x10];
	[sflag:s30] =	ssyncadd.s32 $0xFFFFC000  }
0x50: {  	[hbm4b:s1+s2] =	stream.linear.scatter [tilespmem:s28], [sflag:$0xC], $0x4000, $0x38;
	[tilespmem:$0x18000] =	vst v63  }
0x51: {  	_ =	swait.ge [sflag:s13], $0x4000  }
0x52: {  	[sflag:s13] =	ssyncset.done $0x0  }
0x53: {  	s1 =	rddreg [dreg:$0x11];
	[sflag:s13] =	ssyncadd.s32 $0xFFFFC000  }
0x54: {  	[tilespmem:s9], [sflag:$0x3] =	stream.linear.gather [hbm4b:s1+s2], $0x4000, $0x38;
	[tilespmem:$0x18000] =	vst v63  }
0x55: {  	_ =	swait.ge [sflag:s24], $0x4000  }
0x56: {  	[sflag:s24] =	ssyncset.done $0x0  }
0x57: {  	s1 =	rddreg [dreg:$0x12];
	[sflag:s24] =	ssyncadd.s32 $0xFFFFC000  }
0x58: {  	[hbm4b:s1+s2] =	stream.linear.scatter [tilespmem:s2], [sflag:$0x7], $0x4000, $0x38;
	[tilespmem:$0x18000] =	vst v63  }
0x59: {  	_ =	swait.ge [sflag:s10], $0x4000  }
0x5a: {  	[sflag:s10] =	ssyncset.done $0x0  }
0x5b: {  	s1 =	rddreg [dreg:$0x13];
	[sflag:s10] =	ssyncadd.s32 $0xFFFFC000  }
0x5c: {  	[tilespmem:s6], [sflag:$0x4] =	stream.linear.gather [hbm4b:s1+s2], $0x4000, $0x38;
	[tilespmem:$0x18000] =	vst v63  }
0x5d: {  	_ =	swait.ge [sflag:s20], $0x4000  }
0x5e: {  	[sflag:s20] =	ssyncset.done $0x0  }
0x5f: {  	s1 =	rddreg [dreg:$0x14];
	[sflag:s20] =	ssyncadd.s32 $0xFFFFC000  }
0x60: {  	[hbm4b:s1+s2] =	stream.linear.scatter [tilespmem:s14], [sflag:$0x8], $0x4000, $0x38;
	[tilespmem:$0x18000] =	vst v63  }
0x61: {  	_ =	swait.ge [sflag:s7], $0x4000  }
0x62: {  	[sflag:s7] =	ssyncset.done $0x0  }
0x63: {  	s1 =	rddreg [dreg:$0x15];
	[sflag:s7] =	ssyncadd.s32 $0xFFFFC000  }
0x64: {  	[tilespmem:s29], [sflag:$0x5] =	stream.linear.gather [hbm4b:s1+s2], $0x4000, $0x38;
	[tilespmem:$0x18000] =	vst v63  }
0x65: {  	_ =	swait.ge [sflag:s18], $0x4000  }
0x66: {  	[sflag:s18] =	ssyncset.done $0x0  }
0x67: {  	s1 =	rddreg [dreg:$0x16];
	[sflag:s18] =	ssyncadd.s32 $0xFFFFC000  }
0x68: {  	[hbm4b:s1+s2] =	stream.linear.scatter [tilespmem:s9], [sflag:$0x9], $0x4000, $0x38;
	[tilespmem:$0x18000] =	vst v63  }
0x69: {  	_ =	swait.ge [sflag:s5], $0x4000  }
0x6a: {  	[sflag:s5] =	ssyncset.done $0x0  }
0x6b: {  	s1 =	rddreg [dreg:$0x17];
	[sflag:s5] =	ssyncadd.s32 $0xFFFFC000  }
0x6c: {  	[tilespmem:s28], [sflag:$0x6] =	stream.linear.gather [hbm4b:s1+s2], $0x4000, $0x38;
	[tilespmem:$0x18000] =	vst v63  }
0x6d: {  	_ =	swait.ge [sflag:s16], $0x4000  }
0x6e: {  	[sflag:s16] =	ssyncset.done $0x0  }
0x6f: {  	[sflag:s16] =	ssyncadd.s32 $0xFFFFC000  }
0x70: {  	[hbm4b:s26+s2] =	stream.linear.scatter [tilespmem:s6], [sflag:$0xA], $0x4000, $0x38;
	[tilespmem:$0x18000] =	vst v63  }
0x71: {  	_ =	swait.ge [sflag:s11], $0x4000  }
0x72: {  	[sflag:s11] =	ssyncset.done $0x0  }
0x73: {  	[sflag:s11] =	ssyncadd.s32 $0xFFFFC000  }
0x74: {  	[tilespmem:s2], [sflag:$0x1] =	stream.linear.gather [hbm4b:s25+s2], $0x4000, $0x38;
	[tilespmem:$0x18000] =	vst v63  }
0x75: {  	_ =	swait.ge [sflag:s31], $0x4000  }
0x76: {  	[sflag:s31] =	ssyncset.done $0x0  }
0x77: {  	[sflag:s31] =	ssyncadd.s32 $0xFFFFC000  }
0x78: {  	[hbm4b:s23+s2] =	stream.linear.scatter [tilespmem:s29], [sflag:$0xB], $0x4000, $0x38;
	[tilespmem:$0x18000] =	vst v63  }
0x79: {  	_ =	swait.ge [sflag:s15], $0x4000  }
0x7a: {  	[sflag:s15] =	ssyncset.done $0x0  }
0x7b: {  	[sflag:s15] =	ssyncadd.s32 $0xFFFFC000  }
0x7c: {  	[tilespmem:s14], [sflag:$0x2] =	stream.linear.gather [hbm4b:s22+s2], $0x4000, $0x38;
	[tilespmem:$0x18000] =	vst v63  }
0x7d: {  	_ =	swait.ge [sflag:s30], $0x4000  }
0x7e: {  	[sflag:s30] =	ssyncset.done $0x0  }
0x7f: {  	[sflag:s30] =	ssyncadd.s32 $0xFFFFC000  }
0x80: {  	[hbm4b:s21+s2] =	stream.linear.scatter [tilespmem:s28], [sflag:$0xC], $0x4000, $0x38;
	[tilespmem:$0x18000] =	vst v63  }
0x81: {  	_ =	swait.ge [sflag:s13], $0x4000  }
0x82: {  	[sflag:s13] =	ssyncset.done $0x0  }
0x83: {  	[sflag:s13] =	ssyncadd.s32 $0xFFFFC000  }
0x84: {  	[tilespmem:s9], [sflag:$0x3] =	stream.linear.gather [hbm4b:s19+s2], $0x4000, $0x38;
	[tilespmem:$0x18000] =	vst v63  }
0x85: {  	_ =	swait.ge [sflag:s24], $0x4000  }
0x86: {  	[sflag:s24] =	ssyncset.done $0x0  }
0x87: {  	[sflag:s24] =	ssyncadd.s32 $0xFFFFC000  }
0x88: {  	[hbm4b:s17+s2] =	stream.linear.scatter [tilespmem:s2], [sflag:$0x7], $0x4000, $0x38;
	[tilespmem:$0x18000] =	vst v63  }
0x89: {  	_ =	swait.ge [sflag:s10], $0x4000  }
0x8a: {  	[sflag:s10] =	ssyncset.done $0x0  }
0x8b: {  	[sflag:s10] =	ssyncadd.s32 $0xFFFFC000  }
0x8c: {  	[tilespmem:s6], [sflag:$0x4] =	stream.linear.gather [hbm4b:s12+s2], $0x4000, $0x38;
	[tilespmem:$0x18000] =	vst v63  }
0x8d: {  	_ =	swait.ge [sflag:s20], $0x4000  }
0x8e: {  	[sflag:s20] =	ssyncset.done $0x0  }
0x8f: {  	[sflag:s20] =	ssyncadd.s32 $0xFFFFC000  }
0x90: {  	[hbm4b:s8+s2] =	stream.linear.scatter [tilespmem:s14], [sflag:$0x8], $0x4000, $0x38;
	[tilespmem:$0x18000] =	vst v63  }
0x91: {  	_ =	swait.ge [sflag:s18], $0x4000  }
0x92: {  	[sflag:s18] =	ssyncset.done $0x0  }
0x93: {  	[sflag:s18] =	ssyncadd.s32 $0xFFFFC000  }
0x94: {  	[hbm4b:s4+s2] =	stream.linear.scatter [tilespmem:s9], [sflag:$0x9], $0x4000, $0x38;
	[tilespmem:$0x18000] =	vst v63  }
0x95: {  	_ =	swait.ge [sflag:s16], $0x4000  }
0x96: {  	[sflag:s16] =	ssyncset.done $0x0  }
0x97: {  	[sflag:s16] =	ssyncadd.s32 $0xFFFFC000  }
0x98: {  	[hbm4b:s3+s2] =	stream.linear.scatter [tilespmem:s6], [sflag:$0xA], $0x4000, $0x38;
	[tilespmem:$0x18000] =	vst v63  }
0x99: {  	_ =	swait.ge [sflag:s11], $0x4000  }
0x9a: {  	[sflag:s11] =	ssyncset.done $0x0  }
0x9b: {  	[sflag:s11] =	ssyncadd.s32 $0xFFFFC000  }
0x9c: {  	_ =	swait.ge [sflag:s15], $0x4000  }
0x9d: {  	[sflag:s15] =	ssyncset.done $0x0  }
0x9e: {  	[sflag:s15] =	ssyncadd.s32 $0xFFFFC000  }
0x9f: {  	_ =	swait.ge [sflag:s13], $0x4000  }
0xa0: {  	[sflag:s13] =	ssyncset.done $0x0  }
0xa1: {  	[sflag:s13] =	ssyncadd.s32 $0xFFFFC000  }
0xa2: {  	_ =	swait.ge [sflag:s10], $0x4000  }
0xa3: {  	[sflag:s10] =	ssyncset.done $0x0  }
0xa4: {  	[sflag:s10] =	ssyncadd.s32 $0xFFFFC000  }
0xa5: {  	_ =	swait.ge [sflag:s7], $0x4000  }
0xa6: {  	s1 =	rddreg [dreg:$0x18]  }
0xa7: {  	p1 =	sne.s32 s1, $0x1  }
.Ltmp1:
0xa8: {  	_ = 	snop;
	(pc) =	sbr.rel @!p1 .LBB2_3-.Ltmp1, $4  }
0xa9: {  	[sflag:s7] =	ssyncset.done $0x0  }
0xaa: {  	[sflag:s7] =	ssyncadd.s32 $0xFFFFC000  }
0xab: {  	p0 =	por $0x1, $0x1;
	_ =	swait.ge [sflag:s5], $0x4000  }
0xac: {  	s0 =	sadd.s32 $0xFFFFFFFF, s1;
	s1 =	rddreg [dreg:$0x3];
	[sflag:s5] =	ssyncset.done $0x0  }
.LBB2_2:
0xad: {  	[sflag:s5] =	ssyncadd.s32 $0xFFFFC000  }
0xae: {  	s28 =	smov.u32 s26;
	s26 =	smov.u32 s25;
	s25 =	smov.u32 s23  }
0xaf: {  	s23 =	smov.u32 s22;
	s22 =	smov.u32 s21;
	s21 =	smov.u32 s19  }
0xb0: {  	s19 =	smov.u32 s17;
	s17 =	smov.u32 s12;
	s12 =	smov.u32 s8  }
0xb1: {  	[tilespmem:s2], [sflag:$0x1] =	stream.linear.gather [hbm4b:s1+s2], $0x4000, $0x38;
	[tilespmem:$0x18000] =	vst v63  }
0xb2: {  	s8 =	smov.u32 s4;
	s4 =	smov.u32 s3;
	s3 =	rddreg [dreg:$0x4]  }
0xb3: {  	[tilespmem:s14], [sflag:$0x2] =	stream.linear.gather [hbm4b:s3+s2], $0x4000, $0x38;
	[tilespmem:$0x18000] =	vst v63  }
0xb4: {  	s1 =	rddreg [dreg:$0x5]  }
0xb5: {  	[tilespmem:s9], [sflag:$0x3] =	stream.linear.gather [hbm4b:s1+s2], $0x4000, $0x38;
	[tilespmem:$0x18000] =	vst v63  }
0xb6: {  	s3 =	rddreg [dreg:$0x6]  }
0xb7: {  	[tilespmem:s6], [sflag:$0x4] =	stream.linear.gather [hbm4b:s3+s2], $0x4000, $0x38;
	[tilespmem:$0x18000] =	vst v63  }
0xb8: {  	_ =	swait.ge [sflag:s24], $0x4000  }
0xb9: {  	[sflag:s24] =	ssyncset.done $0x0  }
0xba: {  	s3 =	rddreg [dreg:$0x7];
	[sflag:s24] =	ssyncadd.s32 $0xFFFFC000  }
0xbb: {  	[hbm4b:s3+s2] =	stream.linear.scatter [tilespmem:s2], [sflag:$0x7], $0x4000, $0x38;
	[tilespmem:$0x18000] =	vst v63  }
0xbc: {  	_ =	swait.ge [sflag:s20], $0x4000  }
0xbd: {  	[sflag:s20] =	ssyncset.done $0x0  }
0xbe: {  	s1 =	rddreg [dreg:$0x8];
	[sflag:s20] =	ssyncadd.s32 $0xFFFFC000  }
0xbf: {  	[hbm4b:s1+s2] =	stream.linear.scatter [tilespmem:s14], [sflag:$0x8], $0x4000, $0x38;
	[tilespmem:$0x18000] =	vst v63  }
0xc0: {  	s5 =	simm.s32 $0x10000;
	s3 =	rddreg [dreg:$0x9]  }
0xc1: {  	[tilespmem:s5], [sflag:$0x5] =	stream.linear.gather [hbm4b:s3+s2], $0x4000, $0x38;
	[tilespmem:$0x18000] =	vst v63  }
0xc2: {  	_ =	swait.ge [sflag:s18], $0x4000  }
0xc3: {  	[sflag:s18] =	ssyncset.done $0x0  }
0xc4: {  	s1 =	rddreg [dreg:$0xa];
	[sflag:s18] =	ssyncadd.s32 $0xFFFFC000  }
0xc5: {  	[hbm4b:s1+s2] =	stream.linear.scatter [tilespmem:s9], [sflag:$0x9], $0x4000, $0x38;
	[tilespmem:$0x18000] =	vst v63  }
0xc6: {  	s29 =	simm.s32 $0x14000;
	s3 =	rddreg [dreg:$0xb]  }
0xc7: {  	[tilespmem:s29], [sflag:$0x6] =	stream.linear.gather [hbm4b:s3+s2], $0x4000, $0x38;
	[tilespmem:$0x18000] =	vst v63  }
0xc8: {  	_ =	swait.ge [sflag:s16], $0x4000  }
0xc9: {  	[sflag:s16] =	ssyncset.done $0x0  }
0xca: {  	s1 =	rddreg [dreg:$0xc];
	[sflag:s16] =	ssyncadd.s32 $0xFFFFC000  }
0xcb: {  	[hbm4b:s1+s2] =	stream.linear.scatter [tilespmem:s6], [sflag:$0xA], $0x4000, $0x38;
	[tilespmem:$0x18000] =	vst v63  }
0xcc: {  	_ =	swait.ge [sflag:s11], $0x4000  }
0xcd: {  	[sflag:s11] =	ssyncset.done $0x0  }
0xce: {  	s1 =	rddreg [dreg:$0xd];
	[sflag:s11] =	ssyncadd.s32 $0xFFFFC000  }
0xcf: {  	[tilespmem:s2], [sflag:$0x1] =	stream.linear.gather [hbm4b:s1+s2], $0x4000, $0x38;
	[tilespmem:$0x18000] =	vst v63  }
0xd0: {  	_ =	swait.ge [sflag:s31], $0x4000  }
0xd1: {  	s29 =	simm.s32 $0x10000;
	s3 =	smov.u32 s4;
	[sflag:s31] =	ssyncset.done $0x0  }
0xd2: {  	s4 =	smov.u32 s8;
	s1 =	rddreg [dreg:$0xe];
	[sflag:s31] =	ssyncadd.s32 $0xFFFFC000  }
0xd3: {  	[hbm4b:s1+s2] =	stream.linear.scatter [tilespmem:s29], [sflag:$0xB], $0x4000, $0x38;
	[tilespmem:$0x18000] =	vst v63  }
0xd4: {  	s8 =	smov.u32 s12;
	s12 =	smov.u32 s17;
	_ =	swait.ge [sflag:s15], $0x4000  }
0xd5: {  	s17 =	smov.u32 s19;
	s19 =	smov.u32 s21;
	[sflag:s15] =	ssyncset.done $0x0  }
0xd6: {  	s21 =	smov.u32 s22;
	s1 =	rddreg [dreg:$0xf];
	[sflag:s15] =	ssyncadd.s32 $0xFFFFC000  }
0xd7: {  	[tilespmem:s14], [sflag:$0x2] =	stream.linear.gather [hbm4b:s1+s2], $0x4000, $0x38;
	[tilespmem:$0x18000] =	vst v63  }
0xd8: {  	s22 =	smov.u32 s23;
	s23 =	smov.u32 s25;
	_ =	swait.ge [sflag:s30], $0x4000  }
0xd9: {  	s25 =	smov.u32 s26;
	s26 =	smov.u32 s28;
	[sflag:s30] =	ssyncset.done $0x0  }
0xda: {  	s28 =	simm.s32 $0x14000;
	s1 =	rddreg [dreg:$0x10];
	[sflag:s30] =	ssyncadd.s32 $0xFFFFC000  }
0xdb: {  	[hbm4b:s1+s2] =	stream.linear.scatter [tilespmem:s28], [sflag:$0xC], $0x4000, $0x38;
	[tilespmem:$0x18000] =	vst v63  }
0xdc: {  	_ =	swait.ge [sflag:s13], $0x4000  }
0xdd: {  	[sflag:s13] =	ssyncset.done $0x0  }
0xde: {  	s1 =	rddreg [dreg:$0x11];
	[sflag:s13] =	ssyncadd.s32 $0xFFFFC000  }
0xdf: {  	[tilespmem:s9], [sflag:$0x3] =	stream.linear.gather [hbm4b:s1+s2], $0x4000, $0x38;
	[tilespmem:$0x18000] =	vst v63  }
0xe0: {  	_ =	swait.ge [sflag:s24], $0x4000  }
0xe1: {  	[sflag:s24] =	ssyncset.done $0x0  }
0xe2: {  	s1 =	rddreg [dreg:$0x12];
	[sflag:s24] =	ssyncadd.s32 $0xFFFFC000  }
0xe3: {  	[hbm4b:s1+s2] =	stream.linear.scatter [tilespmem:s2], [sflag:$0x7], $0x4000, $0x38;
	[tilespmem:$0x18000] =	vst v63  }
0xe4: {  	_ =	swait.ge [sflag:s10], $0x4000  }
0xe5: {  	[sflag:s10] =	ssyncset.done $0x0  }
0xe6: {  	s1 =	rddreg [dreg:$0x13];
	[sflag:s10] =	ssyncadd.s32 $0xFFFFC000  }
0xe7: {  	[tilespmem:s6], [sflag:$0x4] =	stream.linear.gather [hbm4b:s1+s2], $0x4000, $0x38;
	[tilespmem:$0x18000] =	vst v63  }
0xe8: {  	_ =	swait.ge [sflag:s20], $0x4000  }
0xe9: {  	[sflag:s20] =	ssyncset.done $0x0  }
0xea: {  	s1 =	rddreg [dreg:$0x14];
	[sflag:s20] =	ssyncadd.s32 $0xFFFFC000  }
0xeb: {  	[hbm4b:s1+s2] =	stream.linear.scatter [tilespmem:s14], [sflag:$0x8], $0x4000, $0x38;
	[tilespmem:$0x18000] =	vst v63  }
0xec: {  	_ =	swait.ge [sflag:s7], $0x4000  }
0xed: {  	[sflag:s7] =	ssyncset.done $0x0  }
0xee: {  	s1 =	rddreg [dreg:$0x15];
	[sflag:s7] =	ssyncadd.s32 $0xFFFFC000  }
0xef: {  	[tilespmem:s29], [sflag:$0x5] =	stream.linear.gather [hbm4b:s1+s2], $0x4000, $0x38;
	[tilespmem:$0x18000] =	vst v63  }
0xf0: {  	_ =	swait.ge [sflag:s18], $0x4000  }
0xf1: {  	[sflag:s18] =	ssyncset.done $0x0  }
0xf2: {  	s5 =	simm.s32 $0xC;
	s1 =	rddreg [dreg:$0x16];
	[sflag:s18] =	ssyncadd.s32 $0xFFFFC000  }
0xf3: {  	[hbm4b:s1+s2] =	stream.linear.scatter [tilespmem:s9], [sflag:$0x9], $0x4000, $0x38;
	[tilespmem:$0x18000] =	vst v63  }
0xf4: {  	_ =	swait.ge [sflag:s5], $0x4000  }
0xf5: {  	[sflag:s5] =	ssyncset.done $0x0  }
0xf6: {  	s1 =	rddreg [dreg:$0x17];
	[sflag:s5] =	ssyncadd.s32 $0xFFFFC000  }
0xf7: {  	[tilespmem:s28], [sflag:$0x6] =	stream.linear.gather [hbm4b:s1+s2], $0x4000, $0x38;
	[tilespmem:$0x18000] =	vst v63  }
0xf8: {  	_ =	swait.ge [sflag:s16], $0x4000  }
0xf9: {  	[sflag:s16] =	ssyncset.done $0x0  }
0xfa: {  	[sflag:s16] =	ssyncadd.s32 $0xFFFFC000  }
0xfb: {  	[hbm4b:s26+s2] =	stream.linear.scatter [tilespmem:s6], [sflag:$0xA], $0x4000, $0x38;
	[tilespmem:$0x18000] =	vst v63  }
0xfc: {  	_ =	swait.ge [sflag:s11], $0x4000  }
0xfd: {  	[sflag:s11] =	ssyncset.done $0x0  }
0xfe: {  	[sflag:s11] =	ssyncadd.s32 $0xFFFFC000  }
0xff: {  	[tilespmem:s2], [sflag:$0x1] =	stream.linear.gather [hbm4b:s25+s2], $0x4000, $0x38;
	[tilespmem:$0x18000] =	vst v63  }
0x100: {  	_ =	swait.ge [sflag:s31], $0x4000  }
0x101: {  	[sflag:s31] =	ssyncset.done $0x0  }
0x102: {  	[sflag:s31] =	ssyncadd.s32 $0xFFFFC000  }
0x103: {  	[hbm4b:s23+s2] =	stream.linear.scatter [tilespmem:s29], [sflag:$0xB], $0x4000, $0x38;
	[tilespmem:$0x18000] =	vst v63  }
0x104: {  	_ =	swait.ge [sflag:s15], $0x4000  }
0x105: {  	[sflag:s15] =	ssyncset.done $0x0  }
0x106: {  	[sflag:s15] =	ssyncadd.s32 $0xFFFFC000  }
0x107: {  	[tilespmem:s14], [sflag:$0x2] =	stream.linear.gather [hbm4b:s22+s2], $0x4000, $0x38;
	[tilespmem:$0x18000] =	vst v63  }
0x108: {  	_ =	swait.ge [sflag:s30], $0x4000  }
0x109: {  	[sflag:s30] =	ssyncset.done $0x0  }
0x10a: {  	[sflag:s30] =	ssyncadd.s32 $0xFFFFC000  }
0x10b: {  	[hbm4b:s21+s2] =	stream.linear.scatter [tilespmem:s28], [sflag:$0xC], $0x4000, $0x38;
	[tilespmem:$0x18000] =	vst v63  }
0x10c: {  	_ =	swait.ge [sflag:s13], $0x4000  }
0x10d: {  	[sflag:s13] =	ssyncset.done $0x0  }
0x10e: {  	[sflag:s13] =	ssyncadd.s32 $0xFFFFC000  }
0x10f: {  	[tilespmem:s9], [sflag:$0x3] =	stream.linear.gather [hbm4b:s19+s2], $0x4000, $0x38;
	[tilespmem:$0x18000] =	vst v63  }
0x110: {  	_ =	swait.ge [sflag:s24], $0x4000  }
0x111: {  	[sflag:s24] =	ssyncset.done $0x0  }
0x112: {  	[sflag:s24] =	ssyncadd.s32 $0xFFFFC000  }
0x113: {  	[hbm4b:s17+s2] =	stream.linear.scatter [tilespmem:s2], [sflag:$0x7], $0x4000, $0x38;
	[tilespmem:$0x18000] =	vst v63  }
0x114: {  	_ =	swait.ge [sflag:s10], $0x4000  }
0x115: {  	[sflag:s10] =	ssyncset.done $0x0  }
0x116: {  	[sflag:s10] =	ssyncadd.s32 $0xFFFFC000  }
0x117: {  	[tilespmem:s6], [sflag:$0x4] =	stream.linear.gather [hbm4b:s12+s2], $0x4000, $0x38;
	[tilespmem:$0x18000] =	vst v63  }
0x118: {  	_ =	swait.ge [sflag:s20], $0x4000  }
0x119: {  	[sflag:s20] =	ssyncset.done $0x0  }
0x11a: {  	[sflag:s20] =	ssyncadd.s32 $0xFFFFC000  }
0x11b: {  	[hbm4b:s8+s2] =	stream.linear.scatter [tilespmem:s14], [sflag:$0x8], $0x4000, $0x38;
	[tilespmem:$0x18000] =	vst v63  }
0x11c: {  	_ =	swait.ge [sflag:s18], $0x4000  }
0x11d: {  	[sflag:s18] =	ssyncset.done $0x0  }
0x11e: {  	[sflag:s18] =	ssyncadd.s32 $0xFFFFC000  }
0x11f: {  	[hbm4b:s4+s2] =	stream.linear.scatter [tilespmem:s9], [sflag:$0x9], $0x4000, $0x38;
	[tilespmem:$0x18000] =	vst v63  }
0x120: {  	_ =	swait.ge [sflag:s16], $0x4000  }
0x121: {  	[sflag:s16] =	ssyncset.done $0x0  }
0x122: {  	[sflag:s16] =	ssyncadd.s32 $0xFFFFC000  }
0x123: {  	[hbm4b:s3+s2] =	stream.linear.scatter [tilespmem:s6], [sflag:$0xA], $0x4000, $0x38;
	[tilespmem:$0x18000] =	vst v63  }
0x124: {  	_ =	swait.ge [sflag:s11], $0x4000  }
0x125: {  	[sflag:s11] =	ssyncset.done $0x0  }
0x126: {  	[sflag:s11] =	ssyncadd.s32 $0xFFFFC000  }
0x127: {  	_ =	swait.ge [sflag:s15], $0x4000  }
0x128: {  	[sflag:s15] =	ssyncset.done $0x0  }
0x129: {  	[sflag:s15] =	ssyncadd.s32 $0xFFFFC000  }
0x12a: {  	_ =	swait.ge [sflag:s13], $0x4000  }
0x12b: {  	[sflag:s13] =	ssyncset.done $0x0  }
0x12c: {  	[sflag:s13] =	ssyncadd.s32 $0xFFFFC000  }
0x12d: {  	_ =	swait.ge [sflag:s10], $0x4000  }
0x12e: {  	[sflag:s10] =	ssyncset.done $0x0  }
0x12f: {  	p1 =	sne.s32 s0, $0x1;
	[sflag:s10] =	ssyncadd.s32 $0xFFFFC000  }
.Ltmp2:
0x130: {  	_ =	swait.ge [sflag:s7], $0x4000;
	(pc) =	sbr.rel @p1 .LBB2_2-.Ltmp2, $4  }
0x131: {  	[sflag:s7] =	ssyncset.done $0x0  }
0x132: {  	[sflag:s7] =	ssyncadd.s32 $0xFFFFC000  }
0x133: {  	_ =	swait.ge [sflag:s5], $0x4000  }
0x134: {  	s0 =	sadd.s32 $0xFFFFFFFF, s0;
	s1 =	rddreg [dreg:$0x3];
	[sflag:s5] =	ssyncset.done $0x0  }
.LBB2_3:
0x135: {  	[sflag:s5] =	ssyncadd.s32 @p0 $0xFFFFC000  }
0x136: {  	[tilespmem:s2], [sflag:$0x1] =	stream.linear.gather [hbm4b:s1+s2], $0x4000, $0x38;
	[tilespmem:$0x18000] =	vst v63  }
0x137: {  	s0 =	rddreg [dreg:$0x4]  }
0x138: {  	[tilespmem:s14], [sflag:$0x2] =	stream.linear.gather [hbm4b:s0+s2], $0x4000, $0x38;
	[tilespmem:$0x18000] =	vst v63  }
0x139: {  	s1 =	rddreg [dreg:$0x5]  }
0x13a: {  	[tilespmem:s9], [sflag:$0x3] =	stream.linear.gather [hbm4b:s1+s2], $0x4000, $0x38;
	[tilespmem:$0x18000] =	vst v63  }
0x13b: {  	s0 =	rddreg [dreg:$0x6]  }
0x13c: {  	[tilespmem:s6], [sflag:$0x4] =	stream.linear.gather [hbm4b:s0+s2], $0x4000, $0x38;
	[tilespmem:$0x18000] =	vst v63  }
0x13d: {  	_ =	swait.ge [sflag:s24], $0x4000  }
0x13e: {  	[sflag:s24] =	ssyncset.done $0x0  }
0x13f: {  	s1 =	rddreg [dreg:$0x7];
	[sflag:s24] =	ssyncadd.s32 $0xFFFFC000  }
0x140: {  	[hbm4b:s1+s2] =	stream.linear.scatter [tilespmem:s2], [sflag:$0x7], $0x4000, $0x38;
	[tilespmem:$0x18000] =	vst v63  }
0x141: {  	_ =	swait.ge [sflag:s20], $0x4000  }
0x142: {  	[sflag:s20] =	ssyncset.done $0x0  }
0x143: {  	s0 =	rddreg [dreg:$0x8];
	[sflag:s20] =	ssyncadd.s32 $0xFFFFC000  }
0x144: {  	[hbm4b:s0+s2] =	stream.linear.scatter [tilespmem:s14], [sflag:$0x8], $0x4000, $0x38;
	[tilespmem:$0x18000] =	vst v63  }
0x145: {  	s1 =	rddreg [dreg:$0x9]  }
0x146: {  	[tilespmem:s29], [sflag:$0x5] =	stream.linear.gather [hbm4b:s1+s2], $0x4000, $0x38;
	[tilespmem:$0x18000] =	vst v63  }
0x147: {  	_ =	swait.ge [sflag:s18], $0x4000  }
0x148: {  	[sflag:s18] =	ssyncset.done $0x0  }
0x149: {  	s0 =	rddreg [dreg:$0xa];
	[sflag:s18] =	ssyncadd.s32 $0xFFFFC000  }
0x14a: {  	[hbm4b:s0+s2] =	stream.linear.scatter [tilespmem:s9], [sflag:$0x9], $0x4000, $0x38;
	[tilespmem:$0x18000] =	vst v63  }
0x14b: {  	s1 =	rddreg [dreg:$0xb]  }
0x14c: {  	[tilespmem:s28], [sflag:$0x6] =	stream.linear.gather [hbm4b:s1+s2], $0x4000, $0x38;
	[tilespmem:$0x18000] =	vst v63  }
0x14d: {  	_ =	swait.ge [sflag:s16], $0x4000  }
0x14e: {  	[sflag:s16] =	ssyncset.done $0x0  }
0x14f: {  	s1 =	rddreg [dreg:$0xc];
	[sflag:s16] =	ssyncadd.s32 $0xFFFFC000  }
0x150: {  	[hbm4b:s1+s2] =	stream.linear.scatter [tilespmem:s6], [sflag:$0xA], $0x4000, $0x38;
	[tilespmem:$0x18000] =	vst v63  }
0x151: {  	_ =	swait.ge [sflag:s11], $0x4000  }
0x152: {  	[sflag:s11] =	ssyncset.done $0x0  }
0x153: {  	s1 =	rddreg [dreg:$0xd];
	[sflag:s11] =	ssyncadd.s32 $0xFFFFC000  }
0x154: {  	[tilespmem:s2], [sflag:$0x1] =	stream.linear.gather [hbm4b:s1+s2], $0x4000, $0x38;
	[tilespmem:$0x18000] =	vst v63  }
0x155: {  	_ =	swait.ge [sflag:s31], $0x4000  }
0x156: {  	[sflag:s31] =	ssyncset.done $0x0  }
0x157: {  	s1 =	rddreg [dreg:$0xe];
	[sflag:s31] =	ssyncadd.s32 $0xFFFFC000  }
0x158: {  	[hbm4b:s1+s2] =	stream.linear.scatter [tilespmem:s29], [sflag:$0xB], $0x4000, $0x38;
	[tilespmem:$0x18000] =	vst v63  }
0x159: {  	_ =	swait.ge [sflag:s15], $0x4000  }
0x15a: {  	[sflag:s15] =	ssyncset.done $0x0  }
0x15b: {  	s1 =	rddreg [dreg:$0xf];
	[sflag:s15] =	ssyncadd.s32 $0xFFFFC000  }
0x15c: {  	[tilespmem:s14], [sflag:$0x2] =	stream.linear.gather [hbm4b:s1+s2], $0x4000, $0x38;
	[tilespmem:$0x18000] =	vst v63  }
0x15d: {  	_ =	swait.ge [sflag:s30], $0x4000  }
0x15e: {  	[sflag:s30] =	ssyncset.done $0x0  }
0x15f: {  	s1 =	rddreg [dreg:$0x10];
	[sflag:s30] =	ssyncadd.s32 $0xFFFFC000  }
0x160: {  	[hbm4b:s1+s2] =	stream.linear.scatter [tilespmem:s28], [sflag:$0xC], $0x4000, $0x38;
	[tilespmem:$0x18000] =	vst v63  }
0x161: {  	_ =	swait.ge [sflag:s13], $0x4000  }
0x162: {  	[sflag:s13] =	ssyncset.done $0x0  }
0x163: {  	s1 =	rddreg [dreg:$0x11];
	[sflag:s13] =	ssyncadd.s32 $0xFFFFC000  }
0x164: {  	[tilespmem:s9], [sflag:$0x3] =	stream.linear.gather [hbm4b:s1+s2], $0x4000, $0x38;
	[tilespmem:$0x18000] =	vst v63  }
0x165: {  	_ =	swait.ge [sflag:s24], $0x4000  }
0x166: {  	[sflag:s24] =	ssyncset.done $0x0  }
0x167: {  	s1 =	rddreg [dreg:$0x12];
	[sflag:s24] =	ssyncadd.s32 $0xFFFFC000  }
0x168: {  	[hbm4b:s1+s2] =	stream.linear.scatter [tilespmem:s2], [sflag:$0x7], $0x4000, $0x38;
	[tilespmem:$0x18000] =	vst v63  }
0x169: {  	_ =	swait.ge [sflag:s10], $0x4000  }
0x16a: {  	[sflag:s10] =	ssyncset.done $0x0  }
0x16b: {  	s1 =	rddreg [dreg:$0x13];
	[sflag:s10] =	ssyncadd.s32 $0xFFFFC000  }
0x16c: {  	[tilespmem:s6], [sflag:$0x4] =	stream.linear.gather [hbm4b:s1+s2], $0x4000, $0x38;
	[tilespmem:$0x18000] =	vst v63  }
0x16d: {  	_ =	swait.ge [sflag:s20], $0x4000  }
0x16e: {  	[sflag:s20] =	ssyncset.done $0x0  }
0x16f: {  	s1 =	rddreg [dreg:$0x14];
	[sflag:s20] =	ssyncadd.s32 $0xFFFFC000  }
0x170: {  	[hbm4b:s1+s2] =	stream.linear.scatter [tilespmem:s14], [sflag:$0x8], $0x4000, $0x38;
	[tilespmem:$0x18000] =	vst v63  }
0x171: {  	_ =	swait.ge [sflag:s7], $0x4000  }
0x172: {  	[sflag:s7] =	ssyncset.done $0x0  }
0x173: {  	s1 =	rddreg [dreg:$0x15];
	[sflag:s7] =	ssyncadd.s32 $0xFFFFC000  }
0x174: {  	[tilespmem:s29], [sflag:$0x5] =	stream.linear.gather [hbm4b:s1+s2], $0x4000, $0x38;
	[tilespmem:$0x18000] =	vst v63  }
0x175: {  	_ =	swait.ge [sflag:s18], $0x4000  }
0x176: {  	[sflag:s18] =	ssyncset.done $0x0  }
0x177: {  	s1 =	rddreg [dreg:$0x16];
	[sflag:s18] =	ssyncadd.s32 $0xFFFFC000  }
0x178: {  	[hbm4b:s1+s2] =	stream.linear.scatter [tilespmem:s9], [sflag:$0x9], $0x4000, $0x38;
	[tilespmem:$0x18000] =	vst v63  }
0x179: {  	_ =	swait.ge [sflag:s5], $0x4000  }
0x17a: {  	[sflag:s5] =	ssyncset.done $0x0  }
0x17b: {  	s1 =	rddreg [dreg:$0x17];
	[sflag:s5] =	ssyncadd.s32 $0xFFFFC000  }
0x17c: {  	[tilespmem:s28], [sflag:$0x6] =	stream.linear.gather [hbm4b:s1+s2], $0x4000, $0x38;
	[tilespmem:$0x18000] =	vst v63  }
0x17d: {  	_ =	swait.ge [sflag:s16], $0x4000  }
0x17e: {  	[sflag:s16] =	ssyncset.done $0x0  }
0x17f: {  	[sflag:s16] =	ssyncadd.s32 $0xFFFFC000  }
0x180: {  	[hbm4b:s26+s2] =	stream.linear.scatter [tilespmem:s6], [sflag:$0xA], $0x4000, $0x38;
	[tilespmem:$0x18000] =	vst v63  }
0x181: {  	_ =	swait.ge [sflag:s11], $0x4000  }
0x182: {  	[sflag:s11] =	ssyncset.done $0x0  }
0x183: {  	[sflag:s11] =	ssyncadd.s32 $0xFFFFC000  }
0x184: {  	[tilespmem:s2], [sflag:$0x1] =	stream.linear.gather [hbm4b:s25+s2], $0x4000, $0x38;
	[tilespmem:$0x18000] =	vst v63  }
0x185: {  	_ =	swait.ge [sflag:s31], $0x4000  }
0x186: {  	[sflag:s31] =	ssyncset.done $0x0  }
0x187: {  	[sflag:s31] =	ssyncadd.s32 $0xFFFFC000  }
0x188: {  	[hbm4b:s23+s2] =	stream.linear.scatter [tilespmem:s29], [sflag:$0xB], $0x4000, $0x38;
	[tilespmem:$0x18000] =	vst v63  }
0x189: {  	_ =	swait.ge [sflag:s15], $0x4000  }
0x18a: {  	[sflag:s15] =	ssyncset.done $0x0  }
0x18b: {  	[sflag:s15] =	ssyncadd.s32 $0xFFFFC000  }
0x18c: {  	[tilespmem:s14], [sflag:$0x2] =	stream.linear.gather [hbm4b:s22+s2], $0x4000, $0x38;
	[tilespmem:$0x18000] =	vst v63  }
0x18d: {  	_ =	swait.ge [sflag:s30], $0x4000  }
0x18e: {  	[sflag:s30] =	ssyncset.done $0x0  }
0x18f: {  	[sflag:s30] =	ssyncadd.s32 $0xFFFFC000  }
0x190: {  	[hbm4b:s21+s2] =	stream.linear.scatter [tilespmem:s28], [sflag:$0xC], $0x4000, $0x38;
	[tilespmem:$0x18000] =	vst v63  }
0x191: {  	_ =	swait.ge [sflag:s13], $0x4000  }
0x192: {  	[sflag:s13] =	ssyncset.done $0x0  }
0x193: {  	[sflag:s13] =	ssyncadd.s32 $0xFFFFC000  }
0x194: {  	[tilespmem:s9], [sflag:$0x3] =	stream.linear.gather [hbm4b:s19+s2], $0x4000, $0x38;
	[tilespmem:$0x18000] =	vst v63  }
0x195: {  	_ =	swait.ge [sflag:s24], $0x4000  }
0x196: {  	[sflag:s24] =	ssyncset.done $0x0  }
0x197: {  	[sflag:s24] =	ssyncadd.s32 $0xFFFFC000  }
0x198: {  	[hbm4b:s17+s2] =	stream.linear.scatter [tilespmem:s2], [sflag:$0x7], $0x4000, $0x38;
	[tilespmem:$0x18000] =	vst v63  }
0x199: {  	_ =	swait.ge [sflag:s10], $0x4000  }
0x19a: {  	[sflag:s10] =	ssyncset.done $0x0  }
0x19b: {  	[sflag:s10] =	ssyncadd.s32 $0xFFFFC000  }
0x19c: {  	[tilespmem:s6], [sflag:$0x4] =	stream.linear.gather [hbm4b:s12+s2], $0x4000, $0x38;
	[tilespmem:$0x18000] =	vst v63  }
0x19d: {  	_ =	swait.ge [sflag:s20], $0x4000  }
0x19e: {  	[sflag:s20] =	ssyncset.done $0x0  }
0x19f: {  	[sflag:s20] =	ssyncadd.s32 $0xFFFFC000  }
0x1a0: {  	[hbm4b:s8+s2] =	stream.linear.scatter [tilespmem:s14], [sflag:$0x8], $0x4000, $0x38;
	[tilespmem:$0x18000] =	vst v63  }
0x1a1: {  	_ =	swait.ge [sflag:s18], $0x4000  }
0x1a2: {  	[sflag:s18] =	ssyncset.done $0x0  }
0x1a3: {  	[sflag:s18] =	ssyncadd.s32 $0xFFFFC000  }
0x1a4: {  	[hbm4b:s4+s2] =	stream.linear.scatter [tilespmem:s9], [sflag:$0x9], $0x4000, $0x38;
	[tilespmem:$0x18000] =	vst v63  }
0x1a5: {  	_ =	swait.ge [sflag:s16], $0x4000  }
0x1a6: {  	[sflag:s16] =	ssyncset.done $0x0  }
0x1a7: {  	[sflag:s16] =	ssyncadd.s32 $0xFFFFC000  }
0x1a8: {  	[hbm4b:s3+s2] =	stream.linear.scatter [tilespmem:s6], [sflag:$0xA], $0x4000, $0x38;
	[tilespmem:$0x18000] =	vst v63  }
0x1a9: {  	_ =	swait.ge [sflag:s11], $0x4000  }
0x1aa: {  	[sflag:s11] =	ssyncset.done $0x0  }
0x1ab: {  	[sflag:s11] =	ssyncadd.s32 $0xFFFFC000  }
0x1ac: {  	_ =	swait.ge [sflag:s15], $0x4000  }
0x1ad: {  	[sflag:s15] =	ssyncset.done $0x0  }
0x1ae: {  	[sflag:s15] =	ssyncadd.s32 $0xFFFFC000  }
0x1af: {  	_ =	swait.ge [sflag:s13], $0x4000  }
0x1b0: {  	[sflag:s13] =	ssyncset.done $0x0  }
0x1b1: {  	[sflag:s13] =	ssyncadd.s32 $0xFFFFC000  }
0x1b2: {  	_ =	swait.ge [sflag:s10], $0x4000  }
0x1b3: {  	[sflag:s10] =	ssyncset.done $0x0  }
0x1b4: {  	[sflag:s10] =	ssyncadd.s32 $0xFFFFC000  }
0x1b5: {  	_ =	swait.ge [sflag:s7], $0x4000  }
0x1b6: {  	[sflag:s7] =	ssyncset.done $0x0  }
0x1b7: {  	[sflag:s7] =	ssyncadd.s32 $0xFFFFC000  }
0x1b8: {  	_ =	swait.ge [sflag:s5], $0x4000  }
0x1b9: {  	[sflag:s5] =	ssyncset.done $0x0  }
0x1ba: {  	[sflag:s5] =	ssyncadd.s32 $0xFFFFC000  }
0x1bb: {  	_ =	sfence.sel $0x180000  }
0x1bc: {  	[bflag:$0x0] =	sbarrier.arrive $0xFFFF  }
0x1bd: {  	_ =	strace $0x90000047  }
0x1be: {  	s31 =	stileid.u32;
	[bflag:$0x2] =	sbarrier.arrive $0xFFFF  }
0x1bf: {  	p0 =	sne.s32 s31, $0x0;
	s0 =	rddreg [dreg:$0x2]  }
0x1c0: {  	s0 =	sadd.s32 @!p0 $0x100000, s0  }
0x1c1: {  	[sflag:s0] =	ssyncadd.tile.s32 @!p0 $0x1;
	_ =	shalt  }
.Lfunc_end2:
_tile_overlayer_lowered:
.L_overlay_start_2:
0x1c2: {  	(tag) =	ssettag $0x2  }
0x1c3: {  	s0 =	rddreg [dreg:$0x0];
	s2 =	stileid.u32  }
0x1c4: {  	s1 =	rddreg [dreg:$0x1];
	p0 =	sne.s32 s2, $0x0  }
0x1c5: {  	s3 =	rddreg [dreg:$0x2];
	[bflag:$0x3] =	sbarrier.arrive $0xFFFF;
	s2 =	simm.s32 @!p0 $0x1C0D  }
0x1c6: {  	[timem:s3], [sflag:s2] =	dma.local @!p0 [hbm:s0], s1  }
0x1c7: {  	s0 =	simm.s32 @!p0 $0xD  }
0x1c8: {  	_ =	swait.ge @!p0 [sflag:s0], s1  }
0x1c9: {  	s1 =	ssub.s32 @!p0 $0x0, s1;
	[sflag:s0] =	ssyncset.done @!p0 $0x0  }
0x1ca: {  	[sflag:s0] =	ssyncadd.s32 @!p0 s1  }
0x1cb: {  	[bflag:$0x3] =	sbarrier.arrive $0xFFFF  }
0x1cc: {  	_ =	shalt  }

</sc_bundles>
